<compile_context>
chip_gen: v7x
topology: tpu7x:2x2x1
jax: 0.10.2.dev20260603
libtpu: 0.0.44.dev20260713+nightly
codegen_flags: <defaults>
</compile_context>

<pallas_src>
import functools

import jax
import jax.numpy as jnp
from jax import lax
from jax.experimental import pallas as pl
from jax.experimental.pallas import tpu as pltpu
from jax.experimental.pallas import tpu_sc as plsc

EMB = 16
NCORES = 2
NSUB = 16
NW = NCORES * NSUB
CHUNK = 2048
NBUF = 3
GROUPS = CHUNK // 16


def _renorm_chunk(rows_v):
    lane = lax.iota(jnp.int32, 16)

    @plsc.parallel_loop(0, GROUPS)
    def g_body(g):
        rowv = lane + g * 16
        cols = [
            plsc.load_gather(rows_v, [rowv, jnp.full((16,), j, jnp.int32)])
            for j in range(EMB)
        ]
        ss = cols[0] * cols[0]
        for j in range(1, EMB):
            ss = ss + cols[j] * cols[j]
        s = jnp.maximum(ss, 1.0)
        i = plsc.bitcast(s, jnp.int32)
        i = jnp.full((16,), 0x5F3759DF, jnp.int32) - lax.shift_right_logical(i, 1)
        y = plsc.bitcast(i, jnp.float32)
        for _ in range(3):
            y = y * (1.5 - 0.5 * s * y * y)
        scale = jnp.where(ss > 1.0, y, 1.0)
        for j in range(EMB):
            plsc.store_scatter(
                rows_v, [rowv, jnp.full((16,), j, jnp.int32)], cols[j] * scale
            )


def kernel(indices, node_emb):
    B, H = indices.shape
    N = B * H
    per_w = N // NW
    n_chunks = per_w // CHUNK
    idx_flat = indices.reshape(N).astype(jnp.int32)

    mesh = plsc.VectorSubcoreMesh(core_axis_name="c", subcore_axis_name="s")

    @functools.partial(
        pl.kernel,
        mesh=mesh,
        out_type=jax.ShapeDtypeStruct((N, EMB), jnp.float32),
        compiler_params=pltpu.CompilerParams(
            needs_layout_passes=False, use_tc_tiling_on_sc=False
        ),
        scratch_types=[
            [pltpu.VMEM((CHUNK,), jnp.int32) for _ in range(NBUF)],
            [pltpu.VMEM((CHUNK, EMB), jnp.float32) for _ in range(NBUF)],
            [pltpu.SemaphoreType.DMA for _ in range(NBUF)],
            [pltpu.SemaphoreType.DMA for _ in range(NBUF)],
        ],
    )
    def k(idx_hbm, table_hbm, out_hbm, idx_bufs, row_bufs, gsems, wsems):
        wid = lax.axis_index("s") * NCORES + lax.axis_index("c")
        wbase = wid * per_w

        def fire(c, b):
            @pl.when(c >= NBUF)
            def _():
                pltpu.make_async_copy(
                    row_bufs[b], out_hbm.at[pl.ds(0, CHUNK)], wsems[b]
                ).wait()

            cbase = wbase + c * CHUNK
            cb = pl.multiple_of(cbase, 8)
            pltpu.sync_copy(idx_hbm.at[pl.ds(cb, CHUNK)], idx_bufs[b])
            pltpu.async_copy(table_hbm.at[idx_bufs[b]], row_bufs[b], gsems[b])

        def finish(c, b):
            pltpu.make_async_copy(
                table_hbm.at[idx_bufs[b]], row_bufs[b], gsems[b]
            ).wait()
            _renorm_chunk(row_bufs[b])
            cbase = wbase + c * CHUNK
            pltpu.async_copy(
                row_bufs[b], out_hbm.at[pl.ds(cbase, CHUNK)], wsems[b]
            )

        def quad_body(q, carry):
            for b in range(NBUF):
                c = q * NBUF + b

                @pl.when(c < n_chunks)
                def _():
                    fire(c, b)

                cf = c - (NBUF - 1)
                fb = (b + 1) % NBUF

                @pl.when((cf >= 0) & (cf < n_chunks))
                def _():
                    finish(cf, fb)

            return carry

        n_steps = n_chunks + NBUF - 1
        lax.fori_loop(0, (n_steps + NBUF - 1) // NBUF, quad_body, 0)

        for b in range(NBUF):
            pltpu.make_async_copy(
                row_bufs[b], out_hbm.at[pl.ds(0, CHUNK)], wsems[b]
            ).wait()

    out = k(idx_flat, node_emb)
    return out.reshape(B, H, EMB)

# --- scband reference (transcript-rebuilt; emitter-appended) ---
"""Pipeline reference for scband-net-52536039965431 (READ-ONLY COPY).

The authoritative reference and input builder live on the scoring server;
editing this copy changes nothing except your own understanding.
"""

import jax, jax.numpy as jnp
import numpy as np

EMB_DIM = 16
NUM_NODES = 1000000
BATCH = 16384
HIST = 200
MAX_NORM = 1.0


def setup_inputs(seed: int = 0) -> dict:
    key = jax.random.key(seed)
    k1, k2 = jax.random.split(key)
    indices = jax.random.randint(k1, (BATCH, HIST), 0, NUM_NODES, dtype=jnp.int64 if jax.config.read('jax_enable_x64') else jnp.int32)
    node_emb = jax.random.normal(k2, (NUM_NODES, EMB_DIM), dtype=jnp.float32)
    return {"indices": indices, "node_emb": node_emb}


def reference(indices, node_emb):
    # torch.nn.Embedding(num_nodes, emb_dim, max_norm=1, norm_type=2.0):
    # gather rows, then renormalize any looked-up row whose L2 norm exceeds max_norm.
    emb = jnp.take(node_emb, indices, axis=0)  # [B, L, D]
    norms = jnp.linalg.norm(emb, ord=2, axis=-1, keepdims=True)
    scale = jnp.where(norms > MAX_NORM, MAX_NORM / jnp.maximum(norms, 1e-7), 1.0)
    return emb * scale

if __name__ == "__main__":
    import jax
    _d = setup_inputs()
    print(jax.jit(kernel)(*tuple(_d.values())))

</pallas_src>

<mosaic_0001>
#map = affine_map<(d0, d1) -> (0)>
#map1 = affine_map<(d0, d1) -> (0, 0)>
module attributes {stable_mosaic.version = 14 : i64} {
  func.func @k(%arg0: i32, %arg1: i32, %arg2: memref<3276800xi32, #tpu.memory_space<hbm>>, %arg3: memref<1000000x16xf32, #tpu.memory_space<hbm>>, %arg4: memref<3276800x16xf32, #tpu.memory_space<hbm>>, %arg5: memref<2048xi32, #tpu.memory_space<vmem>>, %arg6: memref<2048xi32, #tpu.memory_space<vmem>>, %arg7: memref<2048xi32, #tpu.memory_space<vmem>>, %arg8: memref<2048x16xf32, #tpu.memory_space<vmem>>, %arg9: memref<2048x16xf32, #tpu.memory_space<vmem>>, %arg10: memref<2048x16xf32, #tpu.memory_space<vmem>>, %arg11: memref<!tpu.dma_semaphore, #tpu.memory_space<semaphore_mem>>, %arg12: memref<!tpu.dma_semaphore, #tpu.memory_space<semaphore_mem>>, %arg13: memref<!tpu.dma_semaphore, #tpu.memory_space<semaphore_mem>>, %arg14: memref<!tpu.dma_semaphore, #tpu.memory_space<semaphore_mem>>, %arg15: memref<!tpu.dma_semaphore, #tpu.memory_space<semaphore_mem>>, %arg16: memref<!tpu.dma_semaphore, #tpu.memory_space<semaphore_mem>>) attributes {dimension_semantics = [#tpu.dimension_semantics<core_parallel>, #tpu.dimension_semantics<subcore_parallel>], iteration_bounds = array<i64: 2, 16>, scalar_prefetch = 0 : i64, scratch_operands = 12 : i64, tpu.core_type = #tpu.core_type<sc_vector_subcore>, window_params = [{transform_indices = #map}, {transform_indices = #map1}, {transform_indices = #map1}]} {
    %mul3A = arith.constant 2 : i32
    %mul3A_0 = arith.muli %arg1, %mul3A : i32
    %add3A = arith.addi %mul3A_0, %arg0 : i32
    %mul3A_1 = arith.constant 102400 : i32
    %mul3A_2 = arith.muli %add3A, %mul3A_1 : i32
    %scan3A = arith.constant 0 : i32
    %scan3A_3 = arith.constant 0 : i32
    %scan3A_4 = arith.constant 18 : i32
    %scan3A_5 = arith.addi %scan3A_3, %scan3A_4 : i32
    %scan3A_6 = arith.constant 1 : i32
    scf.for %scan3A_25 = %scan3A_3 to %scan3A_5 step %scan3A_6  : i32 {
      %mul3A_26 = arith.constant 3 : i32
      %mul3A_27 = arith.muli %scan3A_25, %mul3A_26 : i32
      %add3A_28 = arith.constant 0 : i32
      %add3A_29 = arith.addi %mul3A_27, %add3A_28 : i32
      %lt3A = arith.constant 50 : i32
      %lt3A_30 = arith.cmpi slt, %add3A_29, %lt3A : i32
      %convert_element_type3A = arith.extui %lt3A_30 : i1 to i32
      %cond3A = arith.constant 0 : i32
      %cond3A_31 = arith.cmpi ne, %convert_element_type3A, %cond3A : i32
      scf.if %cond3A_31 {
        %ge3A_77 = arith.constant 3 : i32
        %ge3A_78 = arith.cmpi sge, %add3A_29, %ge3A_77 : i32
        %convert_element_type3A_79 = arith.extui %ge3A_78 : i1 to i32
        %cond3A_80 = arith.constant 0 : i32
        %cond3A_81 = arith.cmpi ne, %convert_element_type3A_79, %cond3A_80 : i32
        scf.if %cond3A_81 {
          %dma_wait3A_87 = arith.constant 0 : i32
          %dma_wait3A_88 = arith.constant 0 : i32
          %dma_wait3A_89 = tpu.memref_slice %arg4[%dma_wait3A_87, %dma_wait3A_88] : memref<3276800x16xf32, #tpu.memory_space<hbm>> -> memref<2048x16xf32, #tpu.memory_space<hbm>>
          %dma_wait3A_90 = arith.constant 0 : i32
          %dma_wait3A_91 = arith.constant 0 : i32
          %dma_wait3A_92 = tpu.memref_slice %arg4[%dma_wait3A_90, %dma_wait3A_91] : memref<3276800x16xf32, #tpu.memory_space<hbm>> -> memref<2048x16xf32, #tpu.memory_space<hbm>>
          tpu.wait_dma2 semaphore(%arg14 : memref<!tpu.dma_semaphore, #tpu.memory_space<semaphore_mem>>) src(%arg8 : memref<2048x16xf32, #tpu.memory_space<vmem>>) dst(%dma_wait3A_92 : memref<2048x16xf32, #tpu.memory_space<hbm>>)
        } else {
        }
        %mul3A_82 = arith.constant 2048 : i32
        %mul3A_83 = arith.muli %add3A_29, %mul3A_82 : i32
        %add3A_84 = arith.addi %mul3A_2, %mul3A_83 : i32
        %multiple_of3A = tpu.assume_multiple %add3A_84, 8 : i32
        "tpu.region"() ({
          %run_scoped3A = tpu.sem_alloc : memref<!tpu.dma_semaphore, #tpu.memory_space<semaphore_mem>>
          %dma_start3A_87 = tpu.memref_slice %arg2[%multiple_of3A] : memref<3276800xi32, #tpu.memory_space<hbm>> -> memref<2048xi32, #tpu.memory_space<hbm>>
          %dma_start3A_88 = tpu.memref_slice %arg2[%multiple_of3A] : memref<3276800xi32, #tpu.memory_space<hbm>> -> memref<2048xi32, #tpu.memory_space<hbm>>
          tpu.enqueue_dma source(%dma_start3A_88 : memref<2048xi32, #tpu.memory_space<hbm>>) target(%arg5 : memref<2048xi32, #tpu.memory_space<vmem>>) target_semaphore(%run_scoped3A : memref<!tpu.dma_semaphore, #tpu.memory_space<semaphore_mem>>)
          %dma_wait3A_89 = tpu.memref_slice %arg2[%multiple_of3A] : memref<3276800xi32, #tpu.memory_space<hbm>> -> memref<2048xi32, #tpu.memory_space<hbm>>
          %dma_wait3A_90 = tpu.memref_slice %arg2[%multiple_of3A] : memref<3276800xi32, #tpu.memory_space<hbm>> -> memref<2048xi32, #tpu.memory_space<hbm>>
          tpu.wait_dma2 semaphore(%run_scoped3A : memref<!tpu.dma_semaphore, #tpu.memory_space<semaphore_mem>>) src(%dma_wait3A_90 : memref<2048xi32, #tpu.memory_space<hbm>>) dst(%arg5 : memref<2048xi32, #tpu.memory_space<vmem>>)
          tpu.yield
        }) : () -> ()
        %dma_start3A = arith.constant 0 : i32
        %dma_start3A_85 = arith.constant 0 : i32
        %dma_start3A_86 = tpu.memref_slice %arg3[%dma_start3A, %dma_start3A_85] : memref<1000000x16xf32, #tpu.memory_space<hbm>> -> memref<1000000x16xf32, #tpu.memory_space<hbm>>
        tpu.enqueue_indirect_dma source(%dma_start3A_86 : memref<1000000x16xf32, #tpu.memory_space<hbm>>) target(%arg8 : memref<2048x16xf32, #tpu.memory_space<vmem>>) offsets(%arg5 : memref<2048xi32, #tpu.memory_space<vmem>>) semaphore(%arg11 : memref<!tpu.dma_semaphore, #tpu.memory_space<semaphore_mem>>)
      } else {
      }
      %sub3A = arith.constant 2 : i32
      %sub3A_32 = arith.subi %add3A_29, %sub3A : i32
      %ge3A = arith.constant 0 : i32
      %ge3A_33 = arith.cmpi sge, %sub3A_32, %ge3A : i32
      %lt3A_34 = arith.constant 50 : i32
      %lt3A_35 = arith.cmpi slt, %sub3A_32, %lt3A_34 : i32
      %and3A = arith.andi %ge3A_33, %lt3A_35 : i1
      %convert_element_type3A_36 = arith.extui %and3A : i1 to i32
      %cond3A_37 = arith.constant 0 : i32
      %cond3A_38 = arith.cmpi ne, %convert_element_type3A_36, %cond3A_37 : i32
      scf.if %cond3A_38 {
        %dma_wait3A_77 = arith.constant 0 : i32
        %dma_wait3A_78 = arith.constant 0 : i32
        %dma_wait3A_79 = tpu.memref_slice %arg3[%dma_wait3A_77, %dma_wait3A_78] : memref<1000000x16xf32, #tpu.memory_space<hbm>> -> memref<1000000x16xf32, #tpu.memory_space<hbm>>
        tpu.wait_indirect_dma semaphore(%arg12 : memref<!tpu.dma_semaphore, #tpu.memory_space<semaphore_mem>>) src(%dma_wait3A_79 : memref<1000000x16xf32, #tpu.memory_space<hbm>>) dst(%arg9 : memref<2048x16xf32, #tpu.memory_space<vmem>>)
        %iota3A = tpu.iota {dimensions = array<i32: 0>} : vector<16xi32>
        %parallel_loop3A = arith.constant 0 : i32
        %parallel_loop3A_80 = arith.constant 128 : i32
        %parallel_loop3A_81 = arith.constant 1 : i32
        scf.for %parallel_loop3A_88 = %parallel_loop3A to %parallel_loop3A_80 step %parallel_loop3A_81  : i32 {
          %parallel_loop3A_89 = arith.constant 16 : i32
          %parallel_loop3A_90 = arith.muli %parallel_loop3A_88, %parallel_loop3A_89 : i32
          %parallel_loop3A_91 = vector.broadcast %parallel_loop3A_90 : i32 to vector<16xi32>
          %parallel_loop3A_92 = arith.addi %iota3A, %parallel_loop3A_91 : vector<16xi32>
          %parallel_loop3A_93 = arith.constant 0 : i32
          %parallel_loop3A_94 = vector.broadcast %parallel_loop3A_93 : i32 to vector<16xi32>
          %parallel_loop3A_95 = tpu.vector_load_idx %arg9[%parallel_loop3A_92, %parallel_loop3A_94] : memref<2048x16xf32, #tpu.memory_space<vmem>>[vector<16xi32>, vector<16xi32>], vector<16xf32>,
          %parallel_loop3A_96 = arith.constant 1 : i32
          %parallel_loop3A_97 = vector.broadcast %parallel_loop3A_96 : i32 to vector<16xi32>
          %parallel_loop3A_98 = tpu.vector_load_idx %arg9[%parallel_loop3A_92, %parallel_loop3A_97] : memref<2048x16xf32, #tpu.memory_space<vmem>>[vector<16xi32>, vector<16xi32>], vector<16xf32>,
          %parallel_loop3A_99 = arith.constant 2 : i32
          %parallel_loop3A_100 = vector.broadcast %parallel_loop3A_99 : i32 to vector<16xi32>
          %parallel_loop3A_101 = tpu.vector_load_idx %arg9[%parallel_loop3A_92, %parallel_loop3A_100] : memref<2048x16xf32, #tpu.memory_space<vmem>>[vector<16xi32>, vector<16xi32>], vector<16xf32>,
          %parallel_loop3A_102 = arith.constant 3 : i32
          %parallel_loop3A_103 = vector.broadcast %parallel_loop3A_102 : i32 to vector<16xi32>
          %parallel_loop3A_104 = tpu.vector_load_idx %arg9[%parallel_loop3A_92, %parallel_loop3A_103] : memref<2048x16xf32, #tpu.memory_space<vmem>>[vector<16xi32>, vector<16xi32>], vector<16xf32>,
          %parallel_loop3A_105 = arith.constant 4 : i32
          %parallel_loop3A_106 = vector.broadcast %parallel_loop3A_105 : i32 to vector<16xi32>
          %parallel_loop3A_107 = tpu.vector_load_idx %arg9[%parallel_loop3A_92, %parallel_loop3A_106] : memref<2048x16xf32, #tpu.memory_space<vmem>>[vector<16xi32>, vector<16xi32>], vector<16xf32>,
          %parallel_loop3A_108 = arith.constant 5 : i32
          %parallel_loop3A_109 = vector.broadcast %parallel_loop3A_108 : i32 to vector<16xi32>
          %parallel_loop3A_110 = tpu.vector_load_idx %arg9[%parallel_loop3A_92, %parallel_loop3A_109] : memref<2048x16xf32, #tpu.memory_space<vmem>>[vector<16xi32>, vector<16xi32>], vector<16xf32>,
          %parallel_loop3A_111 = arith.constant 6 : i32
          %parallel_loop3A_112 = vector.broadcast %parallel_loop3A_111 : i32 to vector<16xi32>
          %parallel_loop3A_113 = tpu.vector_load_idx %arg9[%parallel_loop3A_92, %parallel_loop3A_112] : memref<2048x16xf32, #tpu.memory_space<vmem>>[vector<16xi32>, vector<16xi32>], vector<16xf32>,
          %parallel_loop3A_114 = arith.constant 7 : i32
          %parallel_loop3A_115 = vector.broadcast %parallel_loop3A_114 : i32 to vector<16xi32>
          %parallel_loop3A_116 = tpu.vector_load_idx %arg9[%parallel_loop3A_92, %parallel_loop3A_115] : memref<2048x16xf32, #tpu.memory_space<vmem>>[vector<16xi32>, vector<16xi32>], vector<16xf32>,
          %parallel_loop3A_117 = arith.constant 8 : i32
          %parallel_loop3A_118 = vector.broadcast %parallel_loop3A_117 : i32 to vector<16xi32>
          %parallel_loop3A_119 = tpu.vector_load_idx %arg9[%parallel_loop3A_92, %parallel_loop3A_118] : memref<2048x16xf32, #tpu.memory_space<vmem>>[vector<16xi32>, vector<16xi32>], vector<16xf32>,
          %parallel_loop3A_120 = arith.constant 9 : i32
          %parallel_loop3A_121 = vector.broadcast %parallel_loop3A_120 : i32 to vector<16xi32>
          %parallel_loop3A_122 = tpu.vector_load_idx %arg9[%parallel_loop3A_92, %parallel_loop3A_121] : memref<2048x16xf32, #tpu.memory_space<vmem>>[vector<16xi32>, vector<16xi32>], vector<16xf32>,
          %parallel_loop3A_123 = arith.constant 10 : i32
          %parallel_loop3A_124 = vector.broadcast %parallel_loop3A_123 : i32 to vector<16xi32>
          %parallel_loop3A_125 = tpu.vector_load_idx %arg9[%parallel_loop3A_92, %parallel_loop3A_124] : memref<2048x16xf32, #tpu.memory_space<vmem>>[vector<16xi32>, vector<16xi32>], vector<16xf32>,
          %parallel_loop3A_126 = arith.constant 11 : i32
          %parallel_loop3A_127 = vector.broadcast %parallel_loop3A_126 : i32 to vector<16xi32>
          %parallel_loop3A_128 = tpu.vector_load_idx %arg9[%parallel_loop3A_92, %parallel_loop3A_127] : memref<2048x16xf32, #tpu.memory_space<vmem>>[vector<16xi32>, vector<16xi32>], vector<16xf32>,
          %parallel_loop3A_129 = arith.constant 12 : i32
          %parallel_loop3A_130 = vector.broadcast %parallel_loop3A_129 : i32 to vector<16xi32>
          %parallel_loop3A_131 = tpu.vector_load_idx %arg9[%parallel_loop3A_92, %parallel_loop3A_130] : memref<2048x16xf32, #tpu.memory_space<vmem>>[vector<16xi32>, vector<16xi32>], vector<16xf32>,
          %parallel_loop3A_132 = arith.constant 13 : i32
          %parallel_loop3A_133 = vector.broadcast %parallel_loop3A_132 : i32 to vector<16xi32>
          %parallel_loop3A_134 = tpu.vector_load_idx %arg9[%parallel_loop3A_92, %parallel_loop3A_133] : memref<2048x16xf32, #tpu.memory_space<vmem>>[vector<16xi32>, vector<16xi32>], vector<16xf32>,
          %parallel_loop3A_135 = arith.constant 14 : i32
          %parallel_loop3A_136 = vector.broadcast %parallel_loop3A_135 : i32 to vector<16xi32>
          %parallel_loop3A_137 = tpu.vector_load_idx %arg9[%parallel_loop3A_92, %parallel_loop3A_136] : memref<2048x16xf32, #tpu.memory_space<vmem>>[vector<16xi32>, vector<16xi32>], vector<16xf32>,
          %parallel_loop3A_138 = arith.constant 15 : i32
          %parallel_loop3A_139 = vector.broadcast %parallel_loop3A_138 : i32 to vector<16xi32>
          %parallel_loop3A_140 = tpu.vector_load_idx %arg9[%parallel_loop3A_92, %parallel_loop3A_139] : memref<2048x16xf32, #tpu.memory_space<vmem>>[vector<16xi32>, vector<16xi32>], vector<16xf32>,
          %parallel_loop3A_141 = arith.mulf %parallel_loop3A_95, %parallel_loop3A_95 : vector<16xf32>
          %parallel_loop3A_142 = arith.mulf %parallel_loop3A_98, %parallel_loop3A_98 : vector<16xf32>
          %parallel_loop3A_143 = arith.addf %parallel_loop3A_141, %parallel_loop3A_142 : vector<16xf32>
          %parallel_loop3A_144 = arith.mulf %parallel_loop3A_101, %parallel_loop3A_101 : vector<16xf32>
          %parallel_loop3A_145 = arith.addf %parallel_loop3A_143, %parallel_loop3A_144 : vector<16xf32>
          %parallel_loop3A_146 = arith.mulf %parallel_loop3A_104, %parallel_loop3A_104 : vector<16xf32>
          %parallel_loop3A_147 = arith.addf %parallel_loop3A_145, %parallel_loop3A_146 : vector<16xf32>
          %parallel_loop3A_148 = arith.mulf %parallel_loop3A_107, %parallel_loop3A_107 : vector<16xf32>
          %parallel_loop3A_149 = arith.addf %parallel_loop3A_147, %parallel_loop3A_148 : vector<16xf32>
          %parallel_loop3A_150 = arith.mulf %parallel_loop3A_110, %parallel_loop3A_110 : vector<16xf32>
          %parallel_loop3A_151 = arith.addf %parallel_loop3A_149, %parallel_loop3A_150 : vector<16xf32>
          %parallel_loop3A_152 = arith.mulf %parallel_loop3A_113, %parallel_loop3A_113 : vector<16xf32>
          %parallel_loop3A_153 = arith.addf %parallel_loop3A_151, %parallel_loop3A_152 : vector<16xf32>
          %parallel_loop3A_154 = arith.mulf %parallel_loop3A_116, %parallel_loop3A_116 : vector<16xf32>
          %parallel_loop3A_155 = arith.addf %parallel_loop3A_153, %parallel_loop3A_154 : vector<16xf32>
          %parallel_loop3A_156 = arith.mulf %parallel_loop3A_119, %parallel_loop3A_119 : vector<16xf32>
          %parallel_loop3A_157 = arith.addf %parallel_loop3A_155, %parallel_loop3A_156 : vector<16xf32>
          %parallel_loop3A_158 = arith.mulf %parallel_loop3A_122, %parallel_loop3A_122 : vector<16xf32>
          %parallel_loop3A_159 = arith.addf %parallel_loop3A_157, %parallel_loop3A_158 : vector<16xf32>
          %parallel_loop3A_160 = arith.mulf %parallel_loop3A_125, %parallel_loop3A_125 : vector<16xf32>
          %parallel_loop3A_161 = arith.addf %parallel_loop3A_159, %parallel_loop3A_160 : vector<16xf32>
          %parallel_loop3A_162 = arith.mulf %parallel_loop3A_128, %parallel_loop3A_128 : vector<16xf32>
          %parallel_loop3A_163 = arith.addf %parallel_loop3A_161, %parallel_loop3A_162 : vector<16xf32>
          %parallel_loop3A_164 = arith.mulf %parallel_loop3A_131, %parallel_loop3A_131 : vector<16xf32>
          %parallel_loop3A_165 = arith.addf %parallel_loop3A_163, %parallel_loop3A_164 : vector<16xf32>
          %parallel_loop3A_166 = arith.mulf %parallel_loop3A_134, %parallel_loop3A_134 : vector<16xf32>
          %parallel_loop3A_167 = arith.addf %parallel_loop3A_165, %parallel_loop3A_166 : vector<16xf32>
          %parallel_loop3A_168 = arith.mulf %parallel_loop3A_137, %parallel_loop3A_137 : vector<16xf32>
          %parallel_loop3A_169 = arith.addf %parallel_loop3A_167, %parallel_loop3A_168 : vector<16xf32>
          %parallel_loop3A_170 = arith.mulf %parallel_loop3A_140, %parallel_loop3A_140 : vector<16xf32>
          %parallel_loop3A_171 = arith.addf %parallel_loop3A_169, %parallel_loop3A_170 : vector<16xf32>
          %parallel_loop3A_172 = arith.constant 1.000000e+00 : f32
          %parallel_loop3A_173 = vector.broadcast %parallel_loop3A_172 : f32 to vector<16xf32>
          %parallel_loop3A_174 = arith.maximumf %parallel_loop3A_171, %parallel_loop3A_173 : vector<16xf32>
          %parallel_loop3A_175 = vector.bitcast %parallel_loop3A_174 : vector<16xf32> to vector<16xi32>
          %parallel_loop3A_176 = arith.constant 1597463007 : i32
          %parallel_loop3A_177 = vector.broadcast %parallel_loop3A_176 : i32 to vector<16xi32>
          %parallel_loop3A_178 = arith.constant 1 : i32
          %parallel_loop3A_179 = vector.broadcast %parallel_loop3A_178 : i32 to vector<16xi32>
          %parallel_loop3A_180 = arith.shrui %parallel_loop3A_175, %parallel_loop3A_179 : vector<16xi32>
          %parallel_loop3A_181 = arith.subi %parallel_loop3A_177, %parallel_loop3A_180 : vector<16xi32>
          %parallel_loop3A_182 = vector.bitcast %parallel_loop3A_181 : vector<16xi32> to vector<16xf32>
          %parallel_loop3A_183 = arith.constant 5.000000e-01 : f32
          %parallel_loop3A_184 = vector.broadcast %parallel_loop3A_183 : f32 to vector<16xf32>
          %parallel_loop3A_185 = arith.mulf %parallel_loop3A_184, %parallel_loop3A_174 : vector<16xf32>
          %parallel_loop3A_186 = arith.mulf %parallel_loop3A_185, %parallel_loop3A_182 : vector<16xf32>
          %parallel_loop3A_187 = arith.mulf %parallel_loop3A_186, %parallel_loop3A_182 : vector<16xf32>
          %parallel_loop3A_188 = arith.constant 1.500000e+00 : f32
          %parallel_loop3A_189 = vector.broadcast %parallel_loop3A_188 : f32 to vector<16xf32>
          %parallel_loop3A_190 = arith.subf %parallel_loop3A_189, %parallel_loop3A_187 : vector<16xf32>
          %parallel_loop3A_191 = arith.mulf %parallel_loop3A_182, %parallel_loop3A_190 : vector<16xf32>
          %parallel_loop3A_192 = arith.constant 5.000000e-01 : f32
          %parallel_loop3A_193 = vector.broadcast %parallel_loop3A_192 : f32 to vector<16xf32>
          %parallel_loop3A_194 = arith.mulf %parallel_loop3A_193, %parallel_loop3A_174 : vector<16xf32>
          %parallel_loop3A_195 = arith.mulf %parallel_loop3A_194, %parallel_loop3A_191 : vector<16xf32>
          %parallel_loop3A_196 = arith.mulf %parallel_loop3A_195, %parallel_loop3A_191 : vector<16xf32>
          %parallel_loop3A_197 = arith.constant 1.500000e+00 : f32
          %parallel_loop3A_198 = vector.broadcast %parallel_loop3A_197 : f32 to vector<16xf32>
          %parallel_loop3A_199 = arith.subf %parallel_loop3A_198, %parallel_loop3A_196 : vector<16xf32>
          %parallel_loop3A_200 = arith.mulf %parallel_loop3A_191, %parallel_loop3A_199 : vector<16xf32>
          %parallel_loop3A_201 = arith.constant 5.000000e-01 : f32
          %parallel_loop3A_202 = vector.broadcast %parallel_loop3A_201 : f32 to vector<16xf32>
          %parallel_loop3A_203 = arith.mulf %parallel_loop3A_202, %parallel_loop3A_174 : vector<16xf32>
          %parallel_loop3A_204 = arith.mulf %parallel_loop3A_203, %parallel_loop3A_200 : vector<16xf32>
          %parallel_loop3A_205 = arith.mulf %parallel_loop3A_204, %parallel_loop3A_200 : vector<16xf32>
          %parallel_loop3A_206 = arith.constant 1.500000e+00 : f32
          %parallel_loop3A_207 = vector.broadcast %parallel_loop3A_206 : f32 to vector<16xf32>
          %parallel_loop3A_208 = arith.subf %parallel_loop3A_207, %parallel_loop3A_205 : vector<16xf32>
          %parallel_loop3A_209 = arith.mulf %parallel_loop3A_200, %parallel_loop3A_208 : vector<16xf32>
          %parallel_loop3A_210 = arith.constant 1.000000e+00 : f32
          %parallel_loop3A_211 = vector.broadcast %parallel_loop3A_210 : f32 to vector<16xf32>
          %parallel_loop3A_212 = arith.cmpf ogt, %parallel_loop3A_171, %parallel_loop3A_211 : vector<16xf32>
          %parallel_loop3A_213 = arith.constant 1.000000e+00 : f32
          %parallel_loop3A_214 = vector.broadcast %parallel_loop3A_213 : f32 to vector<16xf32>
          %parallel_loop3A_215 = arith.select %parallel_loop3A_212, %parallel_loop3A_209, %parallel_loop3A_214 : vector<16xi1>, vector<16xf32>
          %parallel_loop3A_216 = arith.constant 0 : i32
          %parallel_loop3A_217 = vector.broadcast %parallel_loop3A_216 : i32 to vector<16xi32>
          %parallel_loop3A_218 = arith.mulf %parallel_loop3A_95, %parallel_loop3A_215 : vector<16xf32>
          tpu.vector_store_idx %arg9[%parallel_loop3A_92, %parallel_loop3A_217], %parallel_loop3A_218 : memref<2048x16xf32, #tpu.memory_space<vmem>>[vector<16xi32>, vector<16xi32>], vector<16xf32>,
          %parallel_loop3A_219 = arith.constant 1 : i32
          %parallel_loop3A_220 = vector.broadcast %parallel_loop3A_219 : i32 to vector<16xi32>
          %parallel_loop3A_221 = arith.mulf %parallel_loop3A_98, %parallel_loop3A_215 : vector<16xf32>
          tpu.vector_store_idx %arg9[%parallel_loop3A_92, %parallel_loop3A_220], %parallel_loop3A_221 : memref<2048x16xf32, #tpu.memory_space<vmem>>[vector<16xi32>, vector<16xi32>], vector<16xf32>,
          %parallel_loop3A_222 = arith.constant 2 : i32
          %parallel_loop3A_223 = vector.broadcast %parallel_loop3A_222 : i32 to vector<16xi32>
          %parallel_loop3A_224 = arith.mulf %parallel_loop3A_101, %parallel_loop3A_215 : vector<16xf32>
          tpu.vector_store_idx %arg9[%parallel_loop3A_92, %parallel_loop3A_223], %parallel_loop3A_224 : memref<2048x16xf32, #tpu.memory_space<vmem>>[vector<16xi32>, vector<16xi32>], vector<16xf32>,
          %parallel_loop3A_225 = arith.constant 3 : i32
          %parallel_loop3A_226 = vector.broadcast %parallel_loop3A_225 : i32 to vector<16xi32>
          %parallel_loop3A_227 = arith.mulf %parallel_loop3A_104, %parallel_loop3A_215 : vector<16xf32>
          tpu.vector_store_idx %arg9[%parallel_loop3A_92, %parallel_loop3A_226], %parallel_loop3A_227 : memref<2048x16xf32, #tpu.memory_space<vmem>>[vector<16xi32>, vector<16xi32>], vector<16xf32>,
          %parallel_loop3A_228 = arith.constant 4 : i32
          %parallel_loop3A_229 = vector.broadcast %parallel_loop3A_228 : i32 to vector<16xi32>
          %parallel_loop3A_230 = arith.mulf %parallel_loop3A_107, %parallel_loop3A_215 : vector<16xf32>
          tpu.vector_store_idx %arg9[%parallel_loop3A_92, %parallel_loop3A_229], %parallel_loop3A_230 : memref<2048x16xf32, #tpu.memory_space<vmem>>[vector<16xi32>, vector<16xi32>], vector<16xf32>,
          %parallel_loop3A_231 = arith.constant 5 : i32
          %parallel_loop3A_232 = vector.broadcast %parallel_loop3A_231 : i32 to vector<16xi32>
          %parallel_loop3A_233 = arith.mulf %parallel_loop3A_110, %parallel_loop3A_215 : vector<16xf32>
          tpu.vector_store_idx %arg9[%parallel_loop3A_92, %parallel_loop3A_232], %parallel_loop3A_233 : memref<2048x16xf32, #tpu.memory_space<vmem>>[vector<16xi32>, vector<16xi32>], vector<16xf32>,
          %parallel_loop3A_234 = arith.constant 6 : i32
          %parallel_loop3A_235 = vector.broadcast %parallel_loop3A_234 : i32 to vector<16xi32>
          %parallel_loop3A_236 = arith.mulf %parallel_loop3A_113, %parallel_loop3A_215 : vector<16xf32>
          tpu.vector_store_idx %arg9[%parallel_loop3A_92, %parallel_loop3A_235], %parallel_loop3A_236 : memref<2048x16xf32, #tpu.memory_space<vmem>>[vector<16xi32>, vector<16xi32>], vector<16xf32>,
          %parallel_loop3A_237 = arith.constant 7 : i32
          %parallel_loop3A_238 = vector.broadcast %parallel_loop3A_237 : i32 to vector<16xi32>
          %parallel_loop3A_239 = arith.mulf %parallel_loop3A_116, %parallel_loop3A_215 : vector<16xf32>
          tpu.vector_store_idx %arg9[%parallel_loop3A_92, %parallel_loop3A_238], %parallel_loop3A_239 : memref<2048x16xf32, #tpu.memory_space<vmem>>[vector<16xi32>, vector<16xi32>], vector<16xf32>,
          %parallel_loop3A_240 = arith.constant 8 : i32
          %parallel_loop3A_241 = vector.broadcast %parallel_loop3A_240 : i32 to vector<16xi32>
          %parallel_loop3A_242 = arith.mulf %parallel_loop3A_119, %parallel_loop3A_215 : vector<16xf32>
          tpu.vector_store_idx %arg9[%parallel_loop3A_92, %parallel_loop3A_241], %parallel_loop3A_242 : memref<2048x16xf32, #tpu.memory_space<vmem>>[vector<16xi32>, vector<16xi32>], vector<16xf32>,
          %parallel_loop3A_243 = arith.constant 9 : i32
          %parallel_loop3A_244 = vector.broadcast %parallel_loop3A_243 : i32 to vector<16xi32>
          %parallel_loop3A_245 = arith.mulf %parallel_loop3A_122, %parallel_loop3A_215 : vector<16xf32>
          tpu.vector_store_idx %arg9[%parallel_loop3A_92, %parallel_loop3A_244], %parallel_loop3A_245 : memref<2048x16xf32, #tpu.memory_space<vmem>>[vector<16xi32>, vector<16xi32>], vector<16xf32>,
          %parallel_loop3A_246 = arith.constant 10 : i32
          %parallel_loop3A_247 = vector.broadcast %parallel_loop3A_246 : i32 to vector<16xi32>
          %parallel_loop3A_248 = arith.mulf %parallel_loop3A_125, %parallel_loop3A_215 : vector<16xf32>
          tpu.vector_store_idx %arg9[%parallel_loop3A_92, %parallel_loop3A_247], %parallel_loop3A_248 : memref<2048x16xf32, #tpu.memory_space<vmem>>[vector<16xi32>, vector<16xi32>], vector<16xf32>,
          %parallel_loop3A_249 = arith.constant 11 : i32
          %parallel_loop3A_250 = vector.broadcast %parallel_loop3A_249 : i32 to vector<16xi32>
          %parallel_loop3A_251 = arith.mulf %parallel_loop3A_128, %parallel_loop3A_215 : vector<16xf32>
          tpu.vector_store_idx %arg9[%parallel_loop3A_92, %parallel_loop3A_250], %parallel_loop3A_251 : memref<2048x16xf32, #tpu.memory_space<vmem>>[vector<16xi32>, vector<16xi32>], vector<16xf32>,
          %parallel_loop3A_252 = arith.constant 12 : i32
          %parallel_loop3A_253 = vector.broadcast %parallel_loop3A_252 : i32 to vector<16xi32>
          %parallel_loop3A_254 = arith.mulf %parallel_loop3A_131, %parallel_loop3A_215 : vector<16xf32>
          tpu.vector_store_idx %arg9[%parallel_loop3A_92, %parallel_loop3A_253], %parallel_loop3A_254 : memref<2048x16xf32, #tpu.memory_space<vmem>>[vector<16xi32>, vector<16xi32>], vector<16xf32>,
          %parallel_loop3A_255 = arith.constant 13 : i32
          %parallel_loop3A_256 = vector.broadcast %parallel_loop3A_255 : i32 to vector<16xi32>
          %parallel_loop3A_257 = arith.mulf %parallel_loop3A_134, %parallel_loop3A_215 : vector<16xf32>
          tpu.vector_store_idx %arg9[%parallel_loop3A_92, %parallel_loop3A_256], %parallel_loop3A_257 : memref<2048x16xf32, #tpu.memory_space<vmem>>[vector<16xi32>, vector<16xi32>], vector<16xf32>,
          %parallel_loop3A_258 = arith.constant 14 : i32
          %parallel_loop3A_259 = vector.broadcast %parallel_loop3A_258 : i32 to vector<16xi32>
          %parallel_loop3A_260 = arith.mulf %parallel_loop3A_137, %parallel_loop3A_215 : vector<16xf32>
          tpu.vector_store_idx %arg9[%parallel_loop3A_92, %parallel_loop3A_259], %parallel_loop3A_260 : memref<2048x16xf32, #tpu.memory_space<vmem>>[vector<16xi32>, vector<16xi32>], vector<16xf32>,
          %parallel_loop3A_261 = arith.constant 15 : i32
          %parallel_loop3A_262 = vector.broadcast %parallel_loop3A_261 : i32 to vector<16xi32>
          %parallel_loop3A_263 = arith.mulf %parallel_loop3A_140, %parallel_loop3A_215 : vector<16xf32>
          tpu.vector_store_idx %arg9[%parallel_loop3A_92, %parallel_loop3A_262], %parallel_loop3A_263 : memref<2048x16xf32, #tpu.memory_space<vmem>>[vector<16xi32>, vector<16xi32>], vector<16xf32>,
        } {sc.loop_unroll_factor = 1 : i64, sc.parallel_access}
        %mul3A_82 = arith.constant 2048 : i32
        %mul3A_83 = arith.muli %sub3A_32, %mul3A_82 : i32
        %add3A_84 = arith.addi %mul3A_2, %mul3A_83 : i32
        %dma_start3A = arith.constant 0 : i32
        %dma_start3A_85 = tpu.memref_slice %arg4[%add3A_84, %dma_start3A] : memref<3276800x16xf32, #tpu.memory_space<hbm>> -> memref<2048x16xf32, #tpu.memory_space<hbm>>
        %dma_start3A_86 = arith.constant 0 : i32
        %dma_start3A_87 = tpu.memref_slice %arg4[%add3A_84, %dma_start3A_86] : memref<3276800x16xf32, #tpu.memory_space<hbm>> -> memref<2048x16xf32, #tpu.memory_space<hbm>>
        tpu.enqueue_dma source(%arg9 : memref<2048x16xf32, #tpu.memory_space<vmem>>) target(%dma_start3A_87 : memref<2048x16xf32, #tpu.memory_space<hbm>>) target_semaphore(%arg15 : memref<!tpu.dma_semaphore, #tpu.memory_space<semaphore_mem>>)
      } else {
      }
      %mul3A_39 = arith.constant 3 : i32
      %mul3A_40 = arith.muli %scan3A_25, %mul3A_39 : i32
      %add3A_41 = arith.constant 1 : i32
      %add3A_42 = arith.addi %mul3A_40, %add3A_41 : i32
      %lt3A_43 = arith.constant 50 : i32
      %lt3A_44 = arith.cmpi slt, %add3A_42, %lt3A_43 : i32
      %convert_element_type3A_45 = arith.extui %lt3A_44 : i1 to i32
      %cond3A_46 = arith.constant 0 : i32
      %cond3A_47 = arith.cmpi ne, %convert_element_type3A_45, %cond3A_46 : i32
      scf.if %cond3A_47 {
        %ge3A_77 = arith.constant 3 : i32
        %ge3A_78 = arith.cmpi sge, %add3A_42, %ge3A_77 : i32
        %convert_element_type3A_79 = arith.extui %ge3A_78 : i1 to i32
        %cond3A_80 = arith.constant 0 : i32
        %cond3A_81 = arith.cmpi ne, %convert_element_type3A_79, %cond3A_80 : i32
        scf.if %cond3A_81 {
          %dma_wait3A_87 = arith.constant 0 : i32
          %dma_wait3A_88 = arith.constant 0 : i32
          %dma_wait3A_89 = tpu.memref_slice %arg4[%dma_wait3A_87, %dma_wait3A_88] : memref<3276800x16xf32, #tpu.memory_space<hbm>> -> memref<2048x16xf32, #tpu.memory_space<hbm>>
          %dma_wait3A_90 = arith.constant 0 : i32
          %dma_wait3A_91 = arith.constant 0 : i32
          %dma_wait3A_92 = tpu.memref_slice %arg4[%dma_wait3A_90, %dma_wait3A_91] : memref<3276800x16xf32, #tpu.memory_space<hbm>> -> memref<2048x16xf32, #tpu.memory_space<hbm>>
          tpu.wait_dma2 semaphore(%arg15 : memref<!tpu.dma_semaphore, #tpu.memory_space<semaphore_mem>>) src(%arg9 : memref<2048x16xf32, #tpu.memory_space<vmem>>) dst(%dma_wait3A_92 : memref<2048x16xf32, #tpu.memory_space<hbm>>)
        } else {
        }
        %mul3A_82 = arith.constant 2048 : i32
        %mul3A_83 = arith.muli %add3A_42, %mul3A_82 : i32
        %add3A_84 = arith.addi %mul3A_2, %mul3A_83 : i32
        %multiple_of3A = tpu.assume_multiple %add3A_84, 8 : i32
        "tpu.region"() ({
          %run_scoped3A = tpu.sem_alloc : memref<!tpu.dma_semaphore, #tpu.memory_space<semaphore_mem>>
          %dma_start3A_87 = tpu.memref_slice %arg2[%multiple_of3A] : memref<3276800xi32, #tpu.memory_space<hbm>> -> memref<2048xi32, #tpu.memory_space<hbm>>
          %dma_start3A_88 = tpu.memref_slice %arg2[%multiple_of3A] : memref<3276800xi32, #tpu.memory_space<hbm>> -> memref<2048xi32, #tpu.memory_space<hbm>>
          tpu.enqueue_dma source(%dma_start3A_88 : memref<2048xi32, #tpu.memory_space<hbm>>) target(%arg6 : memref<2048xi32, #tpu.memory_space<vmem>>) target_semaphore(%run_scoped3A : memref<!tpu.dma_semaphore, #tpu.memory_space<semaphore_mem>>)
          %dma_wait3A_89 = tpu.memref_slice %arg2[%multiple_of3A] : memref<3276800xi32, #tpu.memory_space<hbm>> -> memref<2048xi32, #tpu.memory_space<hbm>>
          %dma_wait3A_90 = tpu.memref_slice %arg2[%multiple_of3A] : memref<3276800xi32, #tpu.memory_space<hbm>> -> memref<2048xi32, #tpu.memory_space<hbm>>
          tpu.wait_dma2 semaphore(%run_scoped3A : memref<!tpu.dma_semaphore, #tpu.memory_space<semaphore_mem>>) src(%dma_wait3A_90 : memref<2048xi32, #tpu.memory_space<hbm>>) dst(%arg6 : memref<2048xi32, #tpu.memory_space<vmem>>)
          tpu.yield
        }) : () -> ()
        %dma_start3A = arith.constant 0 : i32
        %dma_start3A_85 = arith.constant 0 : i32
        %dma_start3A_86 = tpu.memref_slice %arg3[%dma_start3A, %dma_start3A_85] : memref<1000000x16xf32, #tpu.memory_space<hbm>> -> memref<1000000x16xf32, #tpu.memory_space<hbm>>
        tpu.enqueue_indirect_dma source(%dma_start3A_86 : memref<1000000x16xf32, #tpu.memory_space<hbm>>) target(%arg9 : memref<2048x16xf32, #tpu.memory_space<vmem>>) offsets(%arg6 : memref<2048xi32, #tpu.memory_space<vmem>>) semaphore(%arg12 : memref<!tpu.dma_semaphore, #tpu.memory_space<semaphore_mem>>)
      } else {
      }
      %sub3A_48 = arith.constant 2 : i32
      %sub3A_49 = arith.subi %add3A_42, %sub3A_48 : i32
      %ge3A_50 = arith.constant 0 : i32
      %ge3A_51 = arith.cmpi sge, %sub3A_49, %ge3A_50 : i32
      %lt3A_52 = arith.constant 50 : i32
      %lt3A_53 = arith.cmpi slt, %sub3A_49, %lt3A_52 : i32
      %and3A_54 = arith.andi %ge3A_51, %lt3A_53 : i1
      %convert_element_type3A_55 = arith.extui %and3A_54 : i1 to i32
      %cond3A_56 = arith.constant 0 : i32
      %cond3A_57 = arith.cmpi ne, %convert_element_type3A_55, %cond3A_56 : i32
      scf.if %cond3A_57 {
        %dma_wait3A_77 = arith.constant 0 : i32
        %dma_wait3A_78 = arith.constant 0 : i32
        %dma_wait3A_79 = tpu.memref_slice %arg3[%dma_wait3A_77, %dma_wait3A_78] : memref<1000000x16xf32, #tpu.memory_space<hbm>> -> memref<1000000x16xf32, #tpu.memory_space<hbm>>
        tpu.wait_indirect_dma semaphore(%arg13 : memref<!tpu.dma_semaphore, #tpu.memory_space<semaphore_mem>>) src(%dma_wait3A_79 : memref<1000000x16xf32, #tpu.memory_space<hbm>>) dst(%arg10 : memref<2048x16xf32, #tpu.memory_space<vmem>>)
        %iota3A = tpu.iota {dimensions = array<i32: 0>} : vector<16xi32>
        %parallel_loop3A = arith.constant 0 : i32
        %parallel_loop3A_80 = arith.constant 128 : i32
        %parallel_loop3A_81 = arith.constant 1 : i32
        scf.for %parallel_loop3A_88 = %parallel_loop3A to %parallel_loop3A_80 step %parallel_loop3A_81  : i32 {
          %parallel_loop3A_89 = arith.constant 16 : i32
          %parallel_loop3A_90 = arith.muli %parallel_loop3A_88, %parallel_loop3A_89 : i32
          %parallel_loop3A_91 = vector.broadcast %parallel_loop3A_90 : i32 to vector<16xi32>
          %parallel_loop3A_92 = arith.addi %iota3A, %parallel_loop3A_91 : vector<16xi32>
          %parallel_loop3A_93 = arith.constant 0 : i32
          %parallel_loop3A_94 = vector.broadcast %parallel_loop3A_93 : i32 to vector<16xi32>
          %parallel_loop3A_95 = tpu.vector_load_idx %arg10[%parallel_loop3A_92, %parallel_loop3A_94] : memref<2048x16xf32, #tpu.memory_space<vmem>>[vector<16xi32>, vector<16xi32>], vector<16xf32>,
          %parallel_loop3A_96 = arith.constant 1 : i32
          %parallel_loop3A_97 = vector.broadcast %parallel_loop3A_96 : i32 to vector<16xi32>
          %parallel_loop3A_98 = tpu.vector_load_idx %arg10[%parallel_loop3A_92, %parallel_loop3A_97] : memref<2048x16xf32, #tpu.memory_space<vmem>>[vector<16xi32>, vector<16xi32>], vector<16xf32>,
          %parallel_loop3A_99 = arith.constant 2 : i32
          %parallel_loop3A_100 = vector.broadcast %parallel_loop3A_99 : i32 to vector<16xi32>
          %parallel_loop3A_101 = tpu.vector_load_idx %arg10[%parallel_loop3A_92, %parallel_loop3A_100] : memref<2048x16xf32, #tpu.memory_space<vmem>>[vector<16xi32>, vector<16xi32>], vector<16xf32>,
          %parallel_loop3A_102 = arith.constant 3 : i32
          %parallel_loop3A_103 = vector.broadcast %parallel_loop3A_102 : i32 to vector<16xi32>
          %parallel_loop3A_104 = tpu.vector_load_idx %arg10[%parallel_loop3A_92, %parallel_loop3A_103] : memref<2048x16xf32, #tpu.memory_space<vmem>>[vector<16xi32>, vector<16xi32>], vector<16xf32>,
          %parallel_loop3A_105 = arith.constant 4 : i32
          %parallel_loop3A_106 = vector.broadcast %parallel_loop3A_105 : i32 to vector<16xi32>
          %parallel_loop3A_107 = tpu.vector_load_idx %arg10[%parallel_loop3A_92, %parallel_loop3A_106] : memref<2048x16xf32, #tpu.memory_space<vmem>>[vector<16xi32>, vector<16xi32>], vector<16xf32>,
          %parallel_loop3A_108 = arith.constant 5 : i32
          %parallel_loop3A_109 = vector.broadcast %parallel_loop3A_108 : i32 to vector<16xi32>
          %parallel_loop3A_110 = tpu.vector_load_idx %arg10[%parallel_loop3A_92, %parallel_loop3A_109] : memref<2048x16xf32, #tpu.memory_space<vmem>>[vector<16xi32>, vector<16xi32>], vector<16xf32>,
          %parallel_loop3A_111 = arith.constant 6 : i32
          %parallel_loop3A_112 = vector.broadcast %parallel_loop3A_111 : i32 to vector<16xi32>
          %parallel_loop3A_113 = tpu.vector_load_idx %arg10[%parallel_loop3A_92, %parallel_loop3A_112] : memref<2048x16xf32, #tpu.memory_space<vmem>>[vector<16xi32>, vector<16xi32>], vector<16xf32>,
          %parallel_loop3A_114 = arith.constant 7 : i32
          %parallel_loop3A_115 = vector.broadcast %parallel_loop3A_114 : i32 to vector<16xi32>
          %parallel_loop3A_116 = tpu.vector_load_idx %arg10[%parallel_loop3A_92, %parallel_loop3A_115] : memref<2048x16xf32, #tpu.memory_space<vmem>>[vector<16xi32>, vector<16xi32>], vector<16xf32>,
          %parallel_loop3A_117 = arith.constant 8 : i32
          %parallel_loop3A_118 = vector.broadcast %parallel_loop3A_117 : i32 to vector<16xi32>
          %parallel_loop3A_119 = tpu.vector_load_idx %arg10[%parallel_loop3A_92, %parallel_loop3A_118] : memref<2048x16xf32, #tpu.memory_space<vmem>>[vector<16xi32>, vector<16xi32>], vector<16xf32>,
          %parallel_loop3A_120 = arith.constant 9 : i32
          %parallel_loop3A_121 = vector.broadcast %parallel_loop3A_120 : i32 to vector<16xi32>
          %parallel_loop3A_122 = tpu.vector_load_idx %arg10[%parallel_loop3A_92, %parallel_loop3A_121] : memref<2048x16xf32, #tpu.memory_space<vmem>>[vector<16xi32>, vector<16xi32>], vector<16xf32>,
          %parallel_loop3A_123 = arith.constant 10 : i32
          %parallel_loop3A_124 = vector.broadcast %parallel_loop3A_123 : i32 to vector<16xi32>
          %parallel_loop3A_125 = tpu.vector_load_idx %arg10[%parallel_loop3A_92, %parallel_loop3A_124] : memref<2048x16xf32, #tpu.memory_space<vmem>>[vector<16xi32>, vector<16xi32>], vector<16xf32>,
          %parallel_loop3A_126 = arith.constant 11 : i32
          %parallel_loop3A_127 = vector.broadcast %parallel_loop3A_126 : i32 to vector<16xi32>
          %parallel_loop3A_128 = tpu.vector_load_idx %arg10[%parallel_loop3A_92, %parallel_loop3A_127] : memref<2048x16xf32, #tpu.memory_space<vmem>>[vector<16xi32>, vector<16xi32>], vector<16xf32>,
          %parallel_loop3A_129 = arith.constant 12 : i32
          %parallel_loop3A_130 = vector.broadcast %parallel_loop3A_129 : i32 to vector<16xi32>
          %parallel_loop3A_131 = tpu.vector_load_idx %arg10[%parallel_loop3A_92, %parallel_loop3A_130] : memref<2048x16xf32, #tpu.memory_space<vmem>>[vector<16xi32>, vector<16xi32>], vector<16xf32>,
          %parallel_loop3A_132 = arith.constant 13 : i32
          %parallel_loop3A_133 = vector.broadcast %parallel_loop3A_132 : i32 to vector<16xi32>
          %parallel_loop3A_134 = tpu.vector_load_idx %arg10[%parallel_loop3A_92, %parallel_loop3A_133] : memref<2048x16xf32, #tpu.memory_space<vmem>>[vector<16xi32>, vector<16xi32>], vector<16xf32>,
          %parallel_loop3A_135 = arith.constant 14 : i32
          %parallel_loop3A_136 = vector.broadcast %parallel_loop3A_135 : i32 to vector<16xi32>
          %parallel_loop3A_137 = tpu.vector_load_idx %arg10[%parallel_loop3A_92, %parallel_loop3A_136] : memref<2048x16xf32, #tpu.memory_space<vmem>>[vector<16xi32>, vector<16xi32>], vector<16xf32>,
          %parallel_loop3A_138 = arith.constant 15 : i32
          %parallel_loop3A_139 = vector.broadcast %parallel_loop3A_138 : i32 to vector<16xi32>
          %parallel_loop3A_140 = tpu.vector_load_idx %arg10[%parallel_loop3A_92, %parallel_loop3A_139] : memref<2048x16xf32, #tpu.memory_space<vmem>>[vector<16xi32>, vector<16xi32>], vector<16xf32>,
          %parallel_loop3A_141 = arith.mulf %parallel_loop3A_95, %parallel_loop3A_95 : vector<16xf32>
          %parallel_loop3A_142 = arith.mulf %parallel_loop3A_98, %parallel_loop3A_98 : vector<16xf32>
          %parallel_loop3A_143 = arith.addf %parallel_loop3A_141, %parallel_loop3A_142 : vector<16xf32>
          %parallel_loop3A_144 = arith.mulf %parallel_loop3A_101, %parallel_loop3A_101 : vector<16xf32>
          %parallel_loop3A_145 = arith.addf %parallel_loop3A_143, %parallel_loop3A_144 : vector<16xf32>
          %parallel_loop3A_146 = arith.mulf %parallel_loop3A_104, %parallel_loop3A_104 : vector<16xf32>
          %parallel_loop3A_147 = arith.addf %parallel_loop3A_145, %parallel_loop3A_146 : vector<16xf32>
          %parallel_loop3A_148 = arith.mulf %parallel_loop3A_107, %parallel_loop3A_107 : vector<16xf32>
          %parallel_loop3A_149 = arith.addf %parallel_loop3A_147, %parallel_loop3A_148 : vector<16xf32>
          %parallel_loop3A_150 = arith.mulf %parallel_loop3A_110, %parallel_loop3A_110 : vector<16xf32>
          %parallel_loop3A_151 = arith.addf %parallel_loop3A_149, %parallel_loop3A_150 : vector<16xf32>
          %parallel_loop3A_152 = arith.mulf %parallel_loop3A_113, %parallel_loop3A_113 : vector<16xf32>
          %parallel_loop3A_153 = arith.addf %parallel_loop3A_151, %parallel_loop3A_152 : vector<16xf32>
          %parallel_loop3A_154 = arith.mulf %parallel_loop3A_116, %parallel_loop3A_116 : vector<16xf32>
          %parallel_loop3A_155 = arith.addf %parallel_loop3A_153, %parallel_loop3A_154 : vector<16xf32>
          %parallel_loop3A_156 = arith.mulf %parallel_loop3A_119, %parallel_loop3A_119 : vector<16xf32>
          %parallel_loop3A_157 = arith.addf %parallel_loop3A_155, %parallel_loop3A_156 : vector<16xf32>
          %parallel_loop3A_158 = arith.mulf %parallel_loop3A_122, %parallel_loop3A_122 : vector<16xf32>
          %parallel_loop3A_159 = arith.addf %parallel_loop3A_157, %parallel_loop3A_158 : vector<16xf32>
          %parallel_loop3A_160 = arith.mulf %parallel_loop3A_125, %parallel_loop3A_125 : vector<16xf32>
          %parallel_loop3A_161 = arith.addf %parallel_loop3A_159, %parallel_loop3A_160 : vector<16xf32>
          %parallel_loop3A_162 = arith.mulf %parallel_loop3A_128, %parallel_loop3A_128 : vector<16xf32>
          %parallel_loop3A_163 = arith.addf %parallel_loop3A_161, %parallel_loop3A_162 : vector<16xf32>
          %parallel_loop3A_164 = arith.mulf %parallel_loop3A_131, %parallel_loop3A_131 : vector<16xf32>
          %parallel_loop3A_165 = arith.addf %parallel_loop3A_163, %parallel_loop3A_164 : vector<16xf32>
          %parallel_loop3A_166 = arith.mulf %parallel_loop3A_134, %parallel_loop3A_134 : vector<16xf32>
          %parallel_loop3A_167 = arith.addf %parallel_loop3A_165, %parallel_loop3A_166 : vector<16xf32>
          %parallel_loop3A_168 = arith.mulf %parallel_loop3A_137, %parallel_loop3A_137 : vector<16xf32>
          %parallel_loop3A_169 = arith.addf %parallel_loop3A_167, %parallel_loop3A_168 : vector<16xf32>
          %parallel_loop3A_170 = arith.mulf %parallel_loop3A_140, %parallel_loop3A_140 : vector<16xf32>
          %parallel_loop3A_171 = arith.addf %parallel_loop3A_169, %parallel_loop3A_170 : vector<16xf32>
          %parallel_loop3A_172 = arith.constant 1.000000e+00 : f32
          %parallel_loop3A_173 = vector.broadcast %parallel_loop3A_172 : f32 to vector<16xf32>
          %parallel_loop3A_174 = arith.maximumf %parallel_loop3A_171, %parallel_loop3A_173 : vector<16xf32>
          %parallel_loop3A_175 = vector.bitcast %parallel_loop3A_174 : vector<16xf32> to vector<16xi32>
          %parallel_loop3A_176 = arith.constant 1597463007 : i32
          %parallel_loop3A_177 = vector.broadcast %parallel_loop3A_176 : i32 to vector<16xi32>
          %parallel_loop3A_178 = arith.constant 1 : i32
          %parallel_loop3A_179 = vector.broadcast %parallel_loop3A_178 : i32 to vector<16xi32>
          %parallel_loop3A_180 = arith.shrui %parallel_loop3A_175, %parallel_loop3A_179 : vector<16xi32>
          %parallel_loop3A_181 = arith.subi %parallel_loop3A_177, %parallel_loop3A_180 : vector<16xi32>
          %parallel_loop3A_182 = vector.bitcast %parallel_loop3A_181 : vector<16xi32> to vector<16xf32>
          %parallel_loop3A_183 = arith.constant 5.000000e-01 : f32
          %parallel_loop3A_184 = vector.broadcast %parallel_loop3A_183 : f32 to vector<16xf32>
          %parallel_loop3A_185 = arith.mulf %parallel_loop3A_184, %parallel_loop3A_174 : vector<16xf32>
          %parallel_loop3A_186 = arith.mulf %parallel_loop3A_185, %parallel_loop3A_182 : vector<16xf32>
          %parallel_loop3A_187 = arith.mulf %parallel_loop3A_186, %parallel_loop3A_182 : vector<16xf32>
          %parallel_loop3A_188 = arith.constant 1.500000e+00 : f32
          %parallel_loop3A_189 = vector.broadcast %parallel_loop3A_188 : f32 to vector<16xf32>
          %parallel_loop3A_190 = arith.subf %parallel_loop3A_189, %parallel_loop3A_187 : vector<16xf32>
          %parallel_loop3A_191 = arith.mulf %parallel_loop3A_182, %parallel_loop3A_190 : vector<16xf32>
          %parallel_loop3A_192 = arith.constant 5.000000e-01 : f32
          %parallel_loop3A_193 = vector.broadcast %parallel_loop3A_192 : f32 to vector<16xf32>
          %parallel_loop3A_194 = arith.mulf %parallel_loop3A_193, %parallel_loop3A_174 : vector<16xf32>
          %parallel_loop3A_195 = arith.mulf %parallel_loop3A_194, %parallel_loop3A_191 : vector<16xf32>
          %parallel_loop3A_196 = arith.mulf %parallel_loop3A_195, %parallel_loop3A_191 : vector<16xf32>
          %parallel_loop3A_197 = arith.constant 1.500000e+00 : f32
          %parallel_loop3A_198 = vector.broadcast %parallel_loop3A_197 : f32 to vector<16xf32>
          %parallel_loop3A_199 = arith.subf %parallel_loop3A_198, %parallel_loop3A_196 : vector<16xf32>
          %parallel_loop3A_200 = arith.mulf %parallel_loop3A_191, %parallel_loop3A_199 : vector<16xf32>
          %parallel_loop3A_201 = arith.constant 5.000000e-01 : f32
          %parallel_loop3A_202 = vector.broadcast %parallel_loop3A_201 : f32 to vector<16xf32>
          %parallel_loop3A_203 = arith.mulf %parallel_loop3A_202, %parallel_loop3A_174 : vector<16xf32>
          %parallel_loop3A_204 = arith.mulf %parallel_loop3A_203, %parallel_loop3A_200 : vector<16xf32>
          %parallel_loop3A_205 = arith.mulf %parallel_loop3A_204, %parallel_loop3A_200 : vector<16xf32>
          %parallel_loop3A_206 = arith.constant 1.500000e+00 : f32
          %parallel_loop3A_207 = vector.broadcast %parallel_loop3A_206 : f32 to vector<16xf32>
          %parallel_loop3A_208 = arith.subf %parallel_loop3A_207, %parallel_loop3A_205 : vector<16xf32>
          %parallel_loop3A_209 = arith.mulf %parallel_loop3A_200, %parallel_loop3A_208 : vector<16xf32>
          %parallel_loop3A_210 = arith.constant 1.000000e+00 : f32
          %parallel_loop3A_211 = vector.broadcast %parallel_loop3A_210 : f32 to vector<16xf32>
          %parallel_loop3A_212 = arith.cmpf ogt, %parallel_loop3A_171, %parallel_loop3A_211 : vector<16xf32>
          %parallel_loop3A_213 = arith.constant 1.000000e+00 : f32
          %parallel_loop3A_214 = vector.broadcast %parallel_loop3A_213 : f32 to vector<16xf32>
          %parallel_loop3A_215 = arith.select %parallel_loop3A_212, %parallel_loop3A_209, %parallel_loop3A_214 : vector<16xi1>, vector<16xf32>
          %parallel_loop3A_216 = arith.constant 0 : i32
          %parallel_loop3A_217 = vector.broadcast %parallel_loop3A_216 : i32 to vector<16xi32>
          %parallel_loop3A_218 = arith.mulf %parallel_loop3A_95, %parallel_loop3A_215 : vector<16xf32>
          tpu.vector_store_idx %arg10[%parallel_loop3A_92, %parallel_loop3A_217], %parallel_loop3A_218 : memref<2048x16xf32, #tpu.memory_space<vmem>>[vector<16xi32>, vector<16xi32>], vector<16xf32>,
          %parallel_loop3A_219 = arith.constant 1 : i32
          %parallel_loop3A_220 = vector.broadcast %parallel_loop3A_219 : i32 to vector<16xi32>
          %parallel_loop3A_221 = arith.mulf %parallel_loop3A_98, %parallel_loop3A_215 : vector<16xf32>
          tpu.vector_store_idx %arg10[%parallel_loop3A_92, %parallel_loop3A_220], %parallel_loop3A_221 : memref<2048x16xf32, #tpu.memory_space<vmem>>[vector<16xi32>, vector<16xi32>], vector<16xf32>,
          %parallel_loop3A_222 = arith.constant 2 : i32
          %parallel_loop3A_223 = vector.broadcast %parallel_loop3A_222 : i32 to vector<16xi32>
          %parallel_loop3A_224 = arith.mulf %parallel_loop3A_101, %parallel_loop3A_215 : vector<16xf32>
          tpu.vector_store_idx %arg10[%parallel_loop3A_92, %parallel_loop3A_223], %parallel_loop3A_224 : memref<2048x16xf32, #tpu.memory_space<vmem>>[vector<16xi32>, vector<16xi32>], vector<16xf32>,
          %parallel_loop3A_225 = arith.constant 3 : i32
          %parallel_loop3A_226 = vector.broadcast %parallel_loop3A_225 : i32 to vector<16xi32>
          %parallel_loop3A_227 = arith.mulf %parallel_loop3A_104, %parallel_loop3A_215 : vector<16xf32>
          tpu.vector_store_idx %arg10[%parallel_loop3A_92, %parallel_loop3A_226], %parallel_loop3A_227 : memref<2048x16xf32, #tpu.memory_space<vmem>>[vector<16xi32>, vector<16xi32>], vector<16xf32>,
          %parallel_loop3A_228 = arith.constant 4 : i32
          %parallel_loop3A_229 = vector.broadcast %parallel_loop3A_228 : i32 to vector<16xi32>
          %parallel_loop3A_230 = arith.mulf %parallel_loop3A_107, %parallel_loop3A_215 : vector<16xf32>
          tpu.vector_store_idx %arg10[%parallel_loop3A_92, %parallel_loop3A_229], %parallel_loop3A_230 : memref<2048x16xf32, #tpu.memory_space<vmem>>[vector<16xi32>, vector<16xi32>], vector<16xf32>,
          %parallel_loop3A_231 = arith.constant 5 : i32
          %parallel_loop3A_232 = vector.broadcast %parallel_loop3A_231 : i32 to vector<16xi32>
          %parallel_loop3A_233 = arith.mulf %parallel_loop3A_110, %parallel_loop3A_215 : vector<16xf32>
          tpu.vector_store_idx %arg10[%parallel_loop3A_92, %parallel_loop3A_232], %parallel_loop3A_233 : memref<2048x16xf32, #tpu.memory_space<vmem>>[vector<16xi32>, vector<16xi32>], vector<16xf32>,
          %parallel_loop3A_234 = arith.constant 6 : i32
          %parallel_loop3A_235 = vector.broadcast %parallel_loop3A_234 : i32 to vector<16xi32>
          %parallel_loop3A_236 = arith.mulf %parallel_loop3A_113, %parallel_loop3A_215 : vector<16xf32>
          tpu.vector_store_idx %arg10[%parallel_loop3A_92, %parallel_loop3A_235], %parallel_loop3A_236 : memref<2048x16xf32, #tpu.memory_space<vmem>>[vector<16xi32>, vector<16xi32>], vector<16xf32>,
          %parallel_loop3A_237 = arith.constant 7 : i32
          %parallel_loop3A_238 = vector.broadcast %parallel_loop3A_237 : i32 to vector<16xi32>
          %parallel_loop3A_239 = arith.mulf %parallel_loop3A_116, %parallel_loop3A_215 : vector<16xf32>
          tpu.vector_store_idx %arg10[%parallel_loop3A_92, %parallel_loop3A_238], %parallel_loop3A_239 : memref<2048x16xf32, #tpu.memory_space<vmem>>[vector<16xi32>, vector<16xi32>], vector<16xf32>,
          %parallel_loop3A_240 = arith.constant 8 : i32
          %parallel_loop3A_241 = vector.broadcast %parallel_loop3A_240 : i32 to vector<16xi32>
          %parallel_loop3A_242 = arith.mulf %parallel_loop3A_119, %parallel_loop3A_215 : vector<16xf32>
          tpu.vector_store_idx %arg10[%parallel_loop3A_92, %parallel_loop3A_241], %parallel_loop3A_242 : memref<2048x16xf32, #tpu.memory_space<vmem>>[vector<16xi32>, vector<16xi32>], vector<16xf32>,
          %parallel_loop3A_243 = arith.constant 9 : i32
          %parallel_loop3A_244 = vector.broadcast %parallel_loop3A_243 : i32 to vector<16xi32>
          %parallel_loop3A_245 = arith.mulf %parallel_loop3A_122, %parallel_loop3A_215 : vector<16xf32>
          tpu.vector_store_idx %arg10[%parallel_loop3A_92, %parallel_loop3A_244], %parallel_loop3A_245 : memref<2048x16xf32, #tpu.memory_space<vmem>>[vector<16xi32>, vector<16xi32>], vector<16xf32>,
          %parallel_loop3A_246 = arith.constant 10 : i32
          %parallel_loop3A_247 = vector.broadcast %parallel_loop3A_246 : i32 to vector<16xi32>
          %parallel_loop3A_248 = arith.mulf %parallel_loop3A_125, %parallel_loop3A_215 : vector<16xf32>
          tpu.vector_store_idx %arg10[%parallel_loop3A_92, %parallel_loop3A_247], %parallel_loop3A_248 : memref<2048x16xf32, #tpu.memory_space<vmem>>[vector<16xi32>, vector<16xi32>], vector<16xf32>,
          %parallel_loop3A_249 = arith.constant 11 : i32
          %parallel_loop3A_250 = vector.broadcast %parallel_loop3A_249 : i32 to vector<16xi32>
          %parallel_loop3A_251 = arith.mulf %parallel_loop3A_128, %parallel_loop3A_215 : vector<16xf32>
          tpu.vector_store_idx %arg10[%parallel_loop3A_92, %parallel_loop3A_250], %parallel_loop3A_251 : memref<2048x16xf32, #tpu.memory_space<vmem>>[vector<16xi32>, vector<16xi32>], vector<16xf32>,
          %parallel_loop3A_252 = arith.constant 12 : i32
          %parallel_loop3A_253 = vector.broadcast %parallel_loop3A_252 : i32 to vector<16xi32>
          %parallel_loop3A_254 = arith.mulf %parallel_loop3A_131, %parallel_loop3A_215 : vector<16xf32>
          tpu.vector_store_idx %arg10[%parallel_loop3A_92, %parallel_loop3A_253], %parallel_loop3A_254 : memref<2048x16xf32, #tpu.memory_space<vmem>>[vector<16xi32>, vector<16xi32>], vector<16xf32>,
          %parallel_loop3A_255 = arith.constant 13 : i32
          %parallel_loop3A_256 = vector.broadcast %parallel_loop3A_255 : i32 to vector<16xi32>
          %parallel_loop3A_257 = arith.mulf %parallel_loop3A_134, %parallel_loop3A_215 : vector<16xf32>
          tpu.vector_store_idx %arg10[%parallel_loop3A_92, %parallel_loop3A_256], %parallel_loop3A_257 : memref<2048x16xf32, #tpu.memory_space<vmem>>[vector<16xi32>, vector<16xi32>], vector<16xf32>,
          %parallel_loop3A_258 = arith.constant 14 : i32
          %parallel_loop3A_259 = vector.broadcast %parallel_loop3A_258 : i32 to vector<16xi32>
          %parallel_loop3A_260 = arith.mulf %parallel_loop3A_137, %parallel_loop3A_215 : vector<16xf32>
          tpu.vector_store_idx %arg10[%parallel_loop3A_92, %parallel_loop3A_259], %parallel_loop3A_260 : memref<2048x16xf32, #tpu.memory_space<vmem>>[vector<16xi32>, vector<16xi32>], vector<16xf32>,
          %parallel_loop3A_261 = arith.constant 15 : i32
          %parallel_loop3A_262 = vector.broadcast %parallel_loop3A_261 : i32 to vector<16xi32>
          %parallel_loop3A_263 = arith.mulf %parallel_loop3A_140, %parallel_loop3A_215 : vector<16xf32>
          tpu.vector_store_idx %arg10[%parallel_loop3A_92, %parallel_loop3A_262], %parallel_loop3A_263 : memref<2048x16xf32, #tpu.memory_space<vmem>>[vector<16xi32>, vector<16xi32>], vector<16xf32>,
        } {sc.loop_unroll_factor = 1 : i64, sc.parallel_access}
        %mul3A_82 = arith.constant 2048 : i32
        %mul3A_83 = arith.muli %sub3A_49, %mul3A_82 : i32
        %add3A_84 = arith.addi %mul3A_2, %mul3A_83 : i32
        %dma_start3A = arith.constant 0 : i32
        %dma_start3A_85 = tpu.memref_slice %arg4[%add3A_84, %dma_start3A] : memref<3276800x16xf32, #tpu.memory_space<hbm>> -> memref<2048x16xf32, #tpu.memory_space<hbm>>
        %dma_start3A_86 = arith.constant 0 : i32
        %dma_start3A_87 = tpu.memref_slice %arg4[%add3A_84, %dma_start3A_86] : memref<3276800x16xf32, #tpu.memory_space<hbm>> -> memref<2048x16xf32, #tpu.memory_space<hbm>>
        tpu.enqueue_dma source(%arg10 : memref<2048x16xf32, #tpu.memory_space<vmem>>) target(%dma_start3A_87 : memref<2048x16xf32, #tpu.memory_space<hbm>>) target_semaphore(%arg16 : memref<!tpu.dma_semaphore, #tpu.memory_space<semaphore_mem>>)
      } else {
      }
      %mul3A_58 = arith.constant 3 : i32
      %mul3A_59 = arith.muli %scan3A_25, %mul3A_58 : i32
      %add3A_60 = arith.constant 2 : i32
      %add3A_61 = arith.addi %mul3A_59, %add3A_60 : i32
      %lt3A_62 = arith.constant 50 : i32
      %lt3A_63 = arith.cmpi slt, %add3A_61, %lt3A_62 : i32
      %convert_element_type3A_64 = arith.extui %lt3A_63 : i1 to i32
      %cond3A_65 = arith.constant 0 : i32
      %cond3A_66 = arith.cmpi ne, %convert_element_type3A_64, %cond3A_65 : i32
      scf.if %cond3A_66 {
        %ge3A_77 = arith.constant 3 : i32
        %ge3A_78 = arith.cmpi sge, %add3A_61, %ge3A_77 : i32
        %convert_element_type3A_79 = arith.extui %ge3A_78 : i1 to i32
        %cond3A_80 = arith.constant 0 : i32
        %cond3A_81 = arith.cmpi ne, %convert_element_type3A_79, %cond3A_80 : i32
        scf.if %cond3A_81 {
          %dma_wait3A_87 = arith.constant 0 : i32
          %dma_wait3A_88 = arith.constant 0 : i32
          %dma_wait3A_89 = tpu.memref_slice %arg4[%dma_wait3A_87, %dma_wait3A_88] : memref<3276800x16xf32, #tpu.memory_space<hbm>> -> memref<2048x16xf32, #tpu.memory_space<hbm>>
          %dma_wait3A_90 = arith.constant 0 : i32
          %dma_wait3A_91 = arith.constant 0 : i32
          %dma_wait3A_92 = tpu.memref_slice %arg4[%dma_wait3A_90, %dma_wait3A_91] : memref<3276800x16xf32, #tpu.memory_space<hbm>> -> memref<2048x16xf32, #tpu.memory_space<hbm>>
          tpu.wait_dma2 semaphore(%arg16 : memref<!tpu.dma_semaphore, #tpu.memory_space<semaphore_mem>>) src(%arg10 : memref<2048x16xf32, #tpu.memory_space<vmem>>) dst(%dma_wait3A_92 : memref<2048x16xf32, #tpu.memory_space<hbm>>)
        } else {
        }
        %mul3A_82 = arith.constant 2048 : i32
        %mul3A_83 = arith.muli %add3A_61, %mul3A_82 : i32
        %add3A_84 = arith.addi %mul3A_2, %mul3A_83 : i32
        %multiple_of3A = tpu.assume_multiple %add3A_84, 8 : i32
        "tpu.region"() ({
          %run_scoped3A = tpu.sem_alloc : memref<!tpu.dma_semaphore, #tpu.memory_space<semaphore_mem>>
          %dma_start3A_87 = tpu.memref_slice %arg2[%multiple_of3A] : memref<3276800xi32, #tpu.memory_space<hbm>> -> memref<2048xi32, #tpu.memory_space<hbm>>
          %dma_start3A_88 = tpu.memref_slice %arg2[%multiple_of3A] : memref<3276800xi32, #tpu.memory_space<hbm>> -> memref<2048xi32, #tpu.memory_space<hbm>>
          tpu.enqueue_dma source(%dma_start3A_88 : memref<2048xi32, #tpu.memory_space<hbm>>) target(%arg7 : memref<2048xi32, #tpu.memory_space<vmem>>) target_semaphore(%run_scoped3A : memref<!tpu.dma_semaphore, #tpu.memory_space<semaphore_mem>>)
          %dma_wait3A_89 = tpu.memref_slice %arg2[%multiple_of3A] : memref<3276800xi32, #tpu.memory_space<hbm>> -> memref<2048xi32, #tpu.memory_space<hbm>>
          %dma_wait3A_90 = tpu.memref_slice %arg2[%multiple_of3A] : memref<3276800xi32, #tpu.memory_space<hbm>> -> memref<2048xi32, #tpu.memory_space<hbm>>
          tpu.wait_dma2 semaphore(%run_scoped3A : memref<!tpu.dma_semaphore, #tpu.memory_space<semaphore_mem>>) src(%dma_wait3A_90 : memref<2048xi32, #tpu.memory_space<hbm>>) dst(%arg7 : memref<2048xi32, #tpu.memory_space<vmem>>)
          tpu.yield
        }) : () -> ()
        %dma_start3A = arith.constant 0 : i32
        %dma_start3A_85 = arith.constant 0 : i32
        %dma_start3A_86 = tpu.memref_slice %arg3[%dma_start3A, %dma_start3A_85] : memref<1000000x16xf32, #tpu.memory_space<hbm>> -> memref<1000000x16xf32, #tpu.memory_space<hbm>>
        tpu.enqueue_indirect_dma source(%dma_start3A_86 : memref<1000000x16xf32, #tpu.memory_space<hbm>>) target(%arg10 : memref<2048x16xf32, #tpu.memory_space<vmem>>) offsets(%arg7 : memref<2048xi32, #tpu.memory_space<vmem>>) semaphore(%arg13 : memref<!tpu.dma_semaphore, #tpu.memory_space<semaphore_mem>>)
      } else {
      }
      %sub3A_67 = arith.constant 2 : i32
      %sub3A_68 = arith.subi %add3A_61, %sub3A_67 : i32
      %ge3A_69 = arith.constant 0 : i32
      %ge3A_70 = arith.cmpi sge, %sub3A_68, %ge3A_69 : i32
      %lt3A_71 = arith.constant 50 : i32
      %lt3A_72 = arith.cmpi slt, %sub3A_68, %lt3A_71 : i32
      %and3A_73 = arith.andi %ge3A_70, %lt3A_72 : i1
      %convert_element_type3A_74 = arith.extui %and3A_73 : i1 to i32
      %cond3A_75 = arith.constant 0 : i32
      %cond3A_76 = arith.cmpi ne, %convert_element_type3A_74, %cond3A_75 : i32
      scf.if %cond3A_76 {
        %dma_wait3A_77 = arith.constant 0 : i32
        %dma_wait3A_78 = arith.constant 0 : i32
        %dma_wait3A_79 = tpu.memref_slice %arg3[%dma_wait3A_77, %dma_wait3A_78] : memref<1000000x16xf32, #tpu.memory_space<hbm>> -> memref<1000000x16xf32, #tpu.memory_space<hbm>>
        tpu.wait_indirect_dma semaphore(%arg11 : memref<!tpu.dma_semaphore, #tpu.memory_space<semaphore_mem>>) src(%dma_wait3A_79 : memref<1000000x16xf32, #tpu.memory_space<hbm>>) dst(%arg8 : memref<2048x16xf32, #tpu.memory_space<vmem>>)
        %iota3A = tpu.iota {dimensions = array<i32: 0>} : vector<16xi32>
        %parallel_loop3A = arith.constant 0 : i32
        %parallel_loop3A_80 = arith.constant 128 : i32
        %parallel_loop3A_81 = arith.constant 1 : i32
        scf.for %parallel_loop3A_88 = %parallel_loop3A to %parallel_loop3A_80 step %parallel_loop3A_81  : i32 {
          %parallel_loop3A_89 = arith.constant 16 : i32
          %parallel_loop3A_90 = arith.muli %parallel_loop3A_88, %parallel_loop3A_89 : i32
          %parallel_loop3A_91 = vector.broadcast %parallel_loop3A_90 : i32 to vector<16xi32>
          %parallel_loop3A_92 = arith.addi %iota3A, %parallel_loop3A_91 : vector<16xi32>
          %parallel_loop3A_93 = arith.constant 0 : i32
          %parallel_loop3A_94 = vector.broadcast %parallel_loop3A_93 : i32 to vector<16xi32>
          %parallel_loop3A_95 = tpu.vector_load_idx %arg8[%parallel_loop3A_92, %parallel_loop3A_94] : memref<2048x16xf32, #tpu.memory_space<vmem>>[vector<16xi32>, vector<16xi32>], vector<16xf32>,
          %parallel_loop3A_96 = arith.constant 1 : i32
          %parallel_loop3A_97 = vector.broadcast %parallel_loop3A_96 : i32 to vector<16xi32>
          %parallel_loop3A_98 = tpu.vector_load_idx %arg8[%parallel_loop3A_92, %parallel_loop3A_97] : memref<2048x16xf32, #tpu.memory_space<vmem>>[vector<16xi32>, vector<16xi32>], vector<16xf32>,
          %parallel_loop3A_99 = arith.constant 2 : i32
          %parallel_loop3A_100 = vector.broadcast %parallel_loop3A_99 : i32 to vector<16xi32>
          %parallel_loop3A_101 = tpu.vector_load_idx %arg8[%parallel_loop3A_92, %parallel_loop3A_100] : memref<2048x16xf32, #tpu.memory_space<vmem>>[vector<16xi32>, vector<16xi32>], vector<16xf32>,
          %parallel_loop3A_102 = arith.constant 3 : i32
          %parallel_loop3A_103 = vector.broadcast %parallel_loop3A_102 : i32 to vector<16xi32>
          %parallel_loop3A_104 = tpu.vector_load_idx %arg8[%parallel_loop3A_92, %parallel_loop3A_103] : memref<2048x16xf32, #tpu.memory_space<vmem>>[vector<16xi32>, vector<16xi32>], vector<16xf32>,
          %parallel_loop3A_105 = arith.constant 4 : i32
          %parallel_loop3A_106 = vector.broadcast %parallel_loop3A_105 : i32 to vector<16xi32>
          %parallel_loop3A_107 = tpu.vector_load_idx %arg8[%parallel_loop3A_92, %parallel_loop3A_106] : memref<2048x16xf32, #tpu.memory_space<vmem>>[vector<16xi32>, vector<16xi32>], vector<16xf32>,
          %parallel_loop3A_108 = arith.constant 5 : i32
          %parallel_loop3A_109 = vector.broadcast %parallel_loop3A_108 : i32 to vector<16xi32>
          %parallel_loop3A_110 = tpu.vector_load_idx %arg8[%parallel_loop3A_92, %parallel_loop3A_109] : memref<2048x16xf32, #tpu.memory_space<vmem>>[vector<16xi32>, vector<16xi32>], vector<16xf32>,
          %parallel_loop3A_111 = arith.constant 6 : i32
          %parallel_loop3A_112 = vector.broadcast %parallel_loop3A_111 : i32 to vector<16xi32>
          %parallel_loop3A_113 = tpu.vector_load_idx %arg8[%parallel_loop3A_92, %parallel_loop3A_112] : memref<2048x16xf32, #tpu.memory_space<vmem>>[vector<16xi32>, vector<16xi32>], vector<16xf32>,
          %parallel_loop3A_114 = arith.constant 7 : i32
          %parallel_loop3A_115 = vector.broadcast %parallel_loop3A_114 : i32 to vector<16xi32>
          %parallel_loop3A_116 = tpu.vector_load_idx %arg8[%parallel_loop3A_92, %parallel_loop3A_115] : memref<2048x16xf32, #tpu.memory_space<vmem>>[vector<16xi32>, vector<16xi32>], vector<16xf32>,
          %parallel_loop3A_117 = arith.constant 8 : i32
          %parallel_loop3A_118 = vector.broadcast %parallel_loop3A_117 : i32 to vector<16xi32>
          %parallel_loop3A_119 = tpu.vector_load_idx %arg8[%parallel_loop3A_92, %parallel_loop3A_118] : memref<2048x16xf32, #tpu.memory_space<vmem>>[vector<16xi32>, vector<16xi32>], vector<16xf32>,
          %parallel_loop3A_120 = arith.constant 9 : i32
          %parallel_loop3A_121 = vector.broadcast %parallel_loop3A_120 : i32 to vector<16xi32>
          %parallel_loop3A_122 = tpu.vector_load_idx %arg8[%parallel_loop3A_92, %parallel_loop3A_121] : memref<2048x16xf32, #tpu.memory_space<vmem>>[vector<16xi32>, vector<16xi32>], vector<16xf32>,
          %parallel_loop3A_123 = arith.constant 10 : i32
          %parallel_loop3A_124 = vector.broadcast %parallel_loop3A_123 : i32 to vector<16xi32>
          %parallel_loop3A_125 = tpu.vector_load_idx %arg8[%parallel_loop3A_92, %parallel_loop3A_124] : memref<2048x16xf32, #tpu.memory_space<vmem>>[vector<16xi32>, vector<16xi32>], vector<16xf32>,
          %parallel_loop3A_126 = arith.constant 11 : i32
          %parallel_loop3A_127 = vector.broadcast %parallel_loop3A_126 : i32 to vector<16xi32>
          %parallel_loop3A_128 = tpu.vector_load_idx %arg8[%parallel_loop3A_92, %parallel_loop3A_127] : memref<2048x16xf32, #tpu.memory_space<vmem>>[vector<16xi32>, vector<16xi32>], vector<16xf32>,
          %parallel_loop3A_129 = arith.constant 12 : i32
          %parallel_loop3A_130 = vector.broadcast %parallel_loop3A_129 : i32 to vector<16xi32>
          %parallel_loop3A_131 = tpu.vector_load_idx %arg8[%parallel_loop3A_92, %parallel_loop3A_130] : memref<2048x16xf32, #tpu.memory_space<vmem>>[vector<16xi32>, vector<16xi32>], vector<16xf32>,
          %parallel_loop3A_132 = arith.constant 13 : i32
          %parallel_loop3A_133 = vector.broadcast %parallel_loop3A_132 : i32 to vector<16xi32>
          %parallel_loop3A_134 = tpu.vector_load_idx %arg8[%parallel_loop3A_92, %parallel_loop3A_133] : memref<2048x16xf32, #tpu.memory_space<vmem>>[vector<16xi32>, vector<16xi32>], vector<16xf32>,
          %parallel_loop3A_135 = arith.constant 14 : i32
          %parallel_loop3A_136 = vector.broadcast %parallel_loop3A_135 : i32 to vector<16xi32>
          %parallel_loop3A_137 = tpu.vector_load_idx %arg8[%parallel_loop3A_92, %parallel_loop3A_136] : memref<2048x16xf32, #tpu.memory_space<vmem>>[vector<16xi32>, vector<16xi32>], vector<16xf32>,
          %parallel_loop3A_138 = arith.constant 15 : i32
          %parallel_loop3A_139 = vector.broadcast %parallel_loop3A_138 : i32 to vector<16xi32>
          %parallel_loop3A_140 = tpu.vector_load_idx %arg8[%parallel_loop3A_92, %parallel_loop3A_139] : memref<2048x16xf32, #tpu.memory_space<vmem>>[vector<16xi32>, vector<16xi32>], vector<16xf32>,
          %parallel_loop3A_141 = arith.mulf %parallel_loop3A_95, %parallel_loop3A_95 : vector<16xf32>
          %parallel_loop3A_142 = arith.mulf %parallel_loop3A_98, %parallel_loop3A_98 : vector<16xf32>
          %parallel_loop3A_143 = arith.addf %parallel_loop3A_141, %parallel_loop3A_142 : vector<16xf32>
          %parallel_loop3A_144 = arith.mulf %parallel_loop3A_101, %parallel_loop3A_101 : vector<16xf32>
          %parallel_loop3A_145 = arith.addf %parallel_loop3A_143, %parallel_loop3A_144 : vector<16xf32>
          %parallel_loop3A_146 = arith.mulf %parallel_loop3A_104, %parallel_loop3A_104 : vector<16xf32>
          %parallel_loop3A_147 = arith.addf %parallel_loop3A_145, %parallel_loop3A_146 : vector<16xf32>
          %parallel_loop3A_148 = arith.mulf %parallel_loop3A_107, %parallel_loop3A_107 : vector<16xf32>
          %parallel_loop3A_149 = arith.addf %parallel_loop3A_147, %parallel_loop3A_148 : vector<16xf32>
          %parallel_loop3A_150 = arith.mulf %parallel_loop3A_110, %parallel_loop3A_110 : vector<16xf32>
          %parallel_loop3A_151 = arith.addf %parallel_loop3A_149, %parallel_loop3A_150 : vector<16xf32>
          %parallel_loop3A_152 = arith.mulf %parallel_loop3A_113, %parallel_loop3A_113 : vector<16xf32>
          %parallel_loop3A_153 = arith.addf %parallel_loop3A_151, %parallel_loop3A_152 : vector<16xf32>
          %parallel_loop3A_154 = arith.mulf %parallel_loop3A_116, %parallel_loop3A_116 : vector<16xf32>
          %parallel_loop3A_155 = arith.addf %parallel_loop3A_153, %parallel_loop3A_154 : vector<16xf32>
          %parallel_loop3A_156 = arith.mulf %parallel_loop3A_119, %parallel_loop3A_119 : vector<16xf32>
          %parallel_loop3A_157 = arith.addf %parallel_loop3A_155, %parallel_loop3A_156 : vector<16xf32>
          %parallel_loop3A_158 = arith.mulf %parallel_loop3A_122, %parallel_loop3A_122 : vector<16xf32>
          %parallel_loop3A_159 = arith.addf %parallel_loop3A_157, %parallel_loop3A_158 : vector<16xf32>
          %parallel_loop3A_160 = arith.mulf %parallel_loop3A_125, %parallel_loop3A_125 : vector<16xf32>
          %parallel_loop3A_161 = arith.addf %parallel_loop3A_159, %parallel_loop3A_160 : vector<16xf32>
          %parallel_loop3A_162 = arith.mulf %parallel_loop3A_128, %parallel_loop3A_128 : vector<16xf32>
          %parallel_loop3A_163 = arith.addf %parallel_loop3A_161, %parallel_loop3A_162 : vector<16xf32>
          %parallel_loop3A_164 = arith.mulf %parallel_loop3A_131, %parallel_loop3A_131 : vector<16xf32>
          %parallel_loop3A_165 = arith.addf %parallel_loop3A_163, %parallel_loop3A_164 : vector<16xf32>
          %parallel_loop3A_166 = arith.mulf %parallel_loop3A_134, %parallel_loop3A_134 : vector<16xf32>
          %parallel_loop3A_167 = arith.addf %parallel_loop3A_165, %parallel_loop3A_166 : vector<16xf32>
          %parallel_loop3A_168 = arith.mulf %parallel_loop3A_137, %parallel_loop3A_137 : vector<16xf32>
          %parallel_loop3A_169 = arith.addf %parallel_loop3A_167, %parallel_loop3A_168 : vector<16xf32>
          %parallel_loop3A_170 = arith.mulf %parallel_loop3A_140, %parallel_loop3A_140 : vector<16xf32>
          %parallel_loop3A_171 = arith.addf %parallel_loop3A_169, %parallel_loop3A_170 : vector<16xf32>
          %parallel_loop3A_172 = arith.constant 1.000000e+00 : f32
          %parallel_loop3A_173 = vector.broadcast %parallel_loop3A_172 : f32 to vector<16xf32>
          %parallel_loop3A_174 = arith.maximumf %parallel_loop3A_171, %parallel_loop3A_173 : vector<16xf32>
          %parallel_loop3A_175 = vector.bitcast %parallel_loop3A_174 : vector<16xf32> to vector<16xi32>
          %parallel_loop3A_176 = arith.constant 1597463007 : i32
          %parallel_loop3A_177 = vector.broadcast %parallel_loop3A_176 : i32 to vector<16xi32>
          %parallel_loop3A_178 = arith.constant 1 : i32
          %parallel_loop3A_179 = vector.broadcast %parallel_loop3A_178 : i32 to vector<16xi32>
          %parallel_loop3A_180 = arith.shrui %parallel_loop3A_175, %parallel_loop3A_179 : vector<16xi32>
          %parallel_loop3A_181 = arith.subi %parallel_loop3A_177, %parallel_loop3A_180 : vector<16xi32>
          %parallel_loop3A_182 = vector.bitcast %parallel_loop3A_181 : vector<16xi32> to vector<16xf32>
          %parallel_loop3A_183 = arith.constant 5.000000e-01 : f32
          %parallel_loop3A_184 = vector.broadcast %parallel_loop3A_183 : f32 to vector<16xf32>
          %parallel_loop3A_185 = arith.mulf %parallel_loop3A_184, %parallel_loop3A_174 : vector<16xf32>
          %parallel_loop3A_186 = arith.mulf %parallel_loop3A_185, %parallel_loop3A_182 : vector<16xf32>
          %parallel_loop3A_187 = arith.mulf %parallel_loop3A_186, %parallel_loop3A_182 : vector<16xf32>
          %parallel_loop3A_188 = arith.constant 1.500000e+00 : f32
          %parallel_loop3A_189 = vector.broadcast %parallel_loop3A_188 : f32 to vector<16xf32>
          %parallel_loop3A_190 = arith.subf %parallel_loop3A_189, %parallel_loop3A_187 : vector<16xf32>
          %parallel_loop3A_191 = arith.mulf %parallel_loop3A_182, %parallel_loop3A_190 : vector<16xf32>
          %parallel_loop3A_192 = arith.constant 5.000000e-01 : f32
          %parallel_loop3A_193 = vector.broadcast %parallel_loop3A_192 : f32 to vector<16xf32>
          %parallel_loop3A_194 = arith.mulf %parallel_loop3A_193, %parallel_loop3A_174 : vector<16xf32>
          %parallel_loop3A_195 = arith.mulf %parallel_loop3A_194, %parallel_loop3A_191 : vector<16xf32>
          %parallel_loop3A_196 = arith.mulf %parallel_loop3A_195, %parallel_loop3A_191 : vector<16xf32>
          %parallel_loop3A_197 = arith.constant 1.500000e+00 : f32
          %parallel_loop3A_198 = vector.broadcast %parallel_loop3A_197 : f32 to vector<16xf32>
          %parallel_loop3A_199 = arith.subf %parallel_loop3A_198, %parallel_loop3A_196 : vector<16xf32>
          %parallel_loop3A_200 = arith.mulf %parallel_loop3A_191, %parallel_loop3A_199 : vector<16xf32>
          %parallel_loop3A_201 = arith.constant 5.000000e-01 : f32
          %parallel_loop3A_202 = vector.broadcast %parallel_loop3A_201 : f32 to vector<16xf32>
          %parallel_loop3A_203 = arith.mulf %parallel_loop3A_202, %parallel_loop3A_174 : vector<16xf32>
          %parallel_loop3A_204 = arith.mulf %parallel_loop3A_203, %parallel_loop3A_200 : vector<16xf32>
          %parallel_loop3A_205 = arith.mulf %parallel_loop3A_204, %parallel_loop3A_200 : vector<16xf32>
          %parallel_loop3A_206 = arith.constant 1.500000e+00 : f32
          %parallel_loop3A_207 = vector.broadcast %parallel_loop3A_206 : f32 to vector<16xf32>
          %parallel_loop3A_208 = arith.subf %parallel_loop3A_207, %parallel_loop3A_205 : vector<16xf32>
          %parallel_loop3A_209 = arith.mulf %parallel_loop3A_200, %parallel_loop3A_208 : vector<16xf32>
          %parallel_loop3A_210 = arith.constant 1.000000e+00 : f32
          %parallel_loop3A_211 = vector.broadcast %parallel_loop3A_210 : f32 to vector<16xf32>
          %parallel_loop3A_212 = arith.cmpf ogt, %parallel_loop3A_171, %parallel_loop3A_211 : vector<16xf32>
          %parallel_loop3A_213 = arith.constant 1.000000e+00 : f32
          %parallel_loop3A_214 = vector.broadcast %parallel_loop3A_213 : f32 to vector<16xf32>
          %parallel_loop3A_215 = arith.select %parallel_loop3A_212, %parallel_loop3A_209, %parallel_loop3A_214 : vector<16xi1>, vector<16xf32>
          %parallel_loop3A_216 = arith.constant 0 : i32
          %parallel_loop3A_217 = vector.broadcast %parallel_loop3A_216 : i32 to vector<16xi32>
          %parallel_loop3A_218 = arith.mulf %parallel_loop3A_95, %parallel_loop3A_215 : vector<16xf32>
          tpu.vector_store_idx %arg8[%parallel_loop3A_92, %parallel_loop3A_217], %parallel_loop3A_218 : memref<2048x16xf32, #tpu.memory_space<vmem>>[vector<16xi32>, vector<16xi32>], vector<16xf32>,
          %parallel_loop3A_219 = arith.constant 1 : i32
          %parallel_loop3A_220 = vector.broadcast %parallel_loop3A_219 : i32 to vector<16xi32>
          %parallel_loop3A_221 = arith.mulf %parallel_loop3A_98, %parallel_loop3A_215 : vector<16xf32>
          tpu.vector_store_idx %arg8[%parallel_loop3A_92, %parallel_loop3A_220], %parallel_loop3A_221 : memref<2048x16xf32, #tpu.memory_space<vmem>>[vector<16xi32>, vector<16xi32>], vector<16xf32>,
          %parallel_loop3A_222 = arith.constant 2 : i32
          %parallel_loop3A_223 = vector.broadcast %parallel_loop3A_222 : i32 to vector<16xi32>
          %parallel_loop3A_224 = arith.mulf %parallel_loop3A_101, %parallel_loop3A_215 : vector<16xf32>
          tpu.vector_store_idx %arg8[%parallel_loop3A_92, %parallel_loop3A_223], %parallel_loop3A_224 : memref<2048x16xf32, #tpu.memory_space<vmem>>[vector<16xi32>, vector<16xi32>], vector<16xf32>,
          %parallel_loop3A_225 = arith.constant 3 : i32
          %parallel_loop3A_226 = vector.broadcast %parallel_loop3A_225 : i32 to vector<16xi32>
          %parallel_loop3A_227 = arith.mulf %parallel_loop3A_104, %parallel_loop3A_215 : vector<16xf32>
          tpu.vector_store_idx %arg8[%parallel_loop3A_92, %parallel_loop3A_226], %parallel_loop3A_227 : memref<2048x16xf32, #tpu.memory_space<vmem>>[vector<16xi32>, vector<16xi32>], vector<16xf32>,
          %parallel_loop3A_228 = arith.constant 4 : i32
          %parallel_loop3A_229 = vector.broadcast %parallel_loop3A_228 : i32 to vector<16xi32>
          %parallel_loop3A_230 = arith.mulf %parallel_loop3A_107, %parallel_loop3A_215 : vector<16xf32>
          tpu.vector_store_idx %arg8[%parallel_loop3A_92, %parallel_loop3A_229], %parallel_loop3A_230 : memref<2048x16xf32, #tpu.memory_space<vmem>>[vector<16xi32>, vector<16xi32>], vector<16xf32>,
          %parallel_loop3A_231 = arith.constant 5 : i32
          %parallel_loop3A_232 = vector.broadcast %parallel_loop3A_231 : i32 to vector<16xi32>
          %parallel_loop3A_233 = arith.mulf %parallel_loop3A_110, %parallel_loop3A_215 : vector<16xf32>
          tpu.vector_store_idx %arg8[%parallel_loop3A_92, %parallel_loop3A_232], %parallel_loop3A_233 : memref<2048x16xf32, #tpu.memory_space<vmem>>[vector<16xi32>, vector<16xi32>], vector<16xf32>,
          %parallel_loop3A_234 = arith.constant 6 : i32
          %parallel_loop3A_235 = vector.broadcast %parallel_loop3A_234 : i32 to vector<16xi32>
          %parallel_loop3A_236 = arith.mulf %parallel_loop3A_113, %parallel_loop3A_215 : vector<16xf32>
          tpu.vector_store_idx %arg8[%parallel_loop3A_92, %parallel_loop3A_235], %parallel_loop3A_236 : memref<2048x16xf32, #tpu.memory_space<vmem>>[vector<16xi32>, vector<16xi32>], vector<16xf32>,
          %parallel_loop3A_237 = arith.constant 7 : i32
          %parallel_loop3A_238 = vector.broadcast %parallel_loop3A_237 : i32 to vector<16xi32>
          %parallel_loop3A_239 = arith.mulf %parallel_loop3A_116, %parallel_loop3A_215 : vector<16xf32>
          tpu.vector_store_idx %arg8[%parallel_loop3A_92, %parallel_loop3A_238], %parallel_loop3A_239 : memref<2048x16xf32, #tpu.memory_space<vmem>>[vector<16xi32>, vector<16xi32>], vector<16xf32>,
          %parallel_loop3A_240 = arith.constant 8 : i32
          %parallel_loop3A_241 = vector.broadcast %parallel_loop3A_240 : i32 to vector<16xi32>
          %parallel_loop3A_242 = arith.mulf %parallel_loop3A_119, %parallel_loop3A_215 : vector<16xf32>
          tpu.vector_store_idx %arg8[%parallel_loop3A_92, %parallel_loop3A_241], %parallel_loop3A_242 : memref<2048x16xf32, #tpu.memory_space<vmem>>[vector<16xi32>, vector<16xi32>], vector<16xf32>,
          %parallel_loop3A_243 = arith.constant 9 : i32
          %parallel_loop3A_244 = vector.broadcast %parallel_loop3A_243 : i32 to vector<16xi32>
          %parallel_loop3A_245 = arith.mulf %parallel_loop3A_122, %parallel_loop3A_215 : vector<16xf32>
          tpu.vector_store_idx %arg8[%parallel_loop3A_92, %parallel_loop3A_244], %parallel_loop3A_245 : memref<2048x16xf32, #tpu.memory_space<vmem>>[vector<16xi32>, vector<16xi32>], vector<16xf32>,
          %parallel_loop3A_246 = arith.constant 10 : i32
          %parallel_loop3A_247 = vector.broadcast %parallel_loop3A_246 : i32 to vector<16xi32>
          %parallel_loop3A_248 = arith.mulf %parallel_loop3A_125, %parallel_loop3A_215 : vector<16xf32>
          tpu.vector_store_idx %arg8[%parallel_loop3A_92, %parallel_loop3A_247], %parallel_loop3A_248 : memref<2048x16xf32, #tpu.memory_space<vmem>>[vector<16xi32>, vector<16xi32>], vector<16xf32>,
          %parallel_loop3A_249 = arith.constant 11 : i32
          %parallel_loop3A_250 = vector.broadcast %parallel_loop3A_249 : i32 to vector<16xi32>
          %parallel_loop3A_251 = arith.mulf %parallel_loop3A_128, %parallel_loop3A_215 : vector<16xf32>
          tpu.vector_store_idx %arg8[%parallel_loop3A_92, %parallel_loop3A_250], %parallel_loop3A_251 : memref<2048x16xf32, #tpu.memory_space<vmem>>[vector<16xi32>, vector<16xi32>], vector<16xf32>,
          %parallel_loop3A_252 = arith.constant 12 : i32
          %parallel_loop3A_253 = vector.broadcast %parallel_loop3A_252 : i32 to vector<16xi32>
          %parallel_loop3A_254 = arith.mulf %parallel_loop3A_131, %parallel_loop3A_215 : vector<16xf32>
          tpu.vector_store_idx %arg8[%parallel_loop3A_92, %parallel_loop3A_253], %parallel_loop3A_254 : memref<2048x16xf32, #tpu.memory_space<vmem>>[vector<16xi32>, vector<16xi32>], vector<16xf32>,
          %parallel_loop3A_255 = arith.constant 13 : i32
          %parallel_loop3A_256 = vector.broadcast %parallel_loop3A_255 : i32 to vector<16xi32>
          %parallel_loop3A_257 = arith.mulf %parallel_loop3A_134, %parallel_loop3A_215 : vector<16xf32>
          tpu.vector_store_idx %arg8[%parallel_loop3A_92, %parallel_loop3A_256], %parallel_loop3A_257 : memref<2048x16xf32, #tpu.memory_space<vmem>>[vector<16xi32>, vector<16xi32>], vector<16xf32>,
          %parallel_loop3A_258 = arith.constant 14 : i32
          %parallel_loop3A_259 = vector.broadcast %parallel_loop3A_258 : i32 to vector<16xi32>
          %parallel_loop3A_260 = arith.mulf %parallel_loop3A_137, %parallel_loop3A_215 : vector<16xf32>
          tpu.vector_store_idx %arg8[%parallel_loop3A_92, %parallel_loop3A_259], %parallel_loop3A_260 : memref<2048x16xf32, #tpu.memory_space<vmem>>[vector<16xi32>, vector<16xi32>], vector<16xf32>,
          %parallel_loop3A_261 = arith.constant 15 : i32
          %parallel_loop3A_262 = vector.broadcast %parallel_loop3A_261 : i32 to vector<16xi32>
          %parallel_loop3A_263 = arith.mulf %parallel_loop3A_140, %parallel_loop3A_215 : vector<16xf32>
          tpu.vector_store_idx %arg8[%parallel_loop3A_92, %parallel_loop3A_262], %parallel_loop3A_263 : memref<2048x16xf32, #tpu.memory_space<vmem>>[vector<16xi32>, vector<16xi32>], vector<16xf32>,
        } {sc.loop_unroll_factor = 1 : i64, sc.parallel_access}
        %mul3A_82 = arith.constant 2048 : i32
        %mul3A_83 = arith.muli %sub3A_68, %mul3A_82 : i32
        %add3A_84 = arith.addi %mul3A_2, %mul3A_83 : i32
        %dma_start3A = arith.constant 0 : i32
        %dma_start3A_85 = tpu.memref_slice %arg4[%add3A_84, %dma_start3A] : memref<3276800x16xf32, #tpu.memory_space<hbm>> -> memref<2048x16xf32, #tpu.memory_space<hbm>>
        %dma_start3A_86 = arith.constant 0 : i32
        %dma_start3A_87 = tpu.memref_slice %arg4[%add3A_84, %dma_start3A_86] : memref<3276800x16xf32, #tpu.memory_space<hbm>> -> memref<2048x16xf32, #tpu.memory_space<hbm>>
        tpu.enqueue_dma source(%arg8 : memref<2048x16xf32, #tpu.memory_space<vmem>>) target(%dma_start3A_87 : memref<2048x16xf32, #tpu.memory_space<hbm>>) target_semaphore(%arg14 : memref<!tpu.dma_semaphore, #tpu.memory_space<semaphore_mem>>)
      } else {
      }
    }
    %scan3A_7 = arith.constant 18 : i32
    %dma_wait3A = arith.constant 0 : i32
    %dma_wait3A_8 = arith.constant 0 : i32
    %dma_wait3A_9 = tpu.memref_slice %arg4[%dma_wait3A, %dma_wait3A_8] : memref<3276800x16xf32, #tpu.memory_space<hbm>> -> memref<2048x16xf32, #tpu.memory_space<hbm>>
    %dma_wait3A_10 = arith.constant 0 : i32
    %dma_wait3A_11 = arith.constant 0 : i32
    %dma_wait3A_12 = tpu.memref_slice %arg4[%dma_wait3A_10, %dma_wait3A_11] : memref<3276800x16xf32, #tpu.memory_space<hbm>> -> memref<2048x16xf32, #tpu.memory_space<hbm>>
    tpu.wait_dma2 semaphore(%arg14 : memref<!tpu.dma_semaphore, #tpu.memory_space<semaphore_mem>>) src(%arg8 : memref<2048x16xf32, #tpu.memory_space<vmem>>) dst(%dma_wait3A_12 : memref<2048x16xf32, #tpu.memory_space<hbm>>)
    %dma_wait3A_13 = arith.constant 0 : i32
    %dma_wait3A_14 = arith.constant 0 : i32
    %dma_wait3A_15 = tpu.memref_slice %arg4[%dma_wait3A_13, %dma_wait3A_14] : memref<3276800x16xf32, #tpu.memory_space<hbm>> -> memref<2048x16xf32, #tpu.memory_space<hbm>>
    %dma_wait3A_16 = arith.constant 0 : i32
    %dma_wait3A_17 = arith.constant 0 : i32
    %dma_wait3A_18 = tpu.memref_slice %arg4[%dma_wait3A_16, %dma_wait3A_17] : memref<3276800x16xf32, #tpu.memory_space<hbm>> -> memref<2048x16xf32, #tpu.memory_space<hbm>>
    tpu.wait_dma2 semaphore(%arg15 : memref<!tpu.dma_semaphore, #tpu.memory_space<semaphore_mem>>) src(%arg9 : memref<2048x16xf32, #tpu.memory_space<vmem>>) dst(%dma_wait3A_18 : memref<2048x16xf32, #tpu.memory_space<hbm>>)
    %dma_wait3A_19 = arith.constant 0 : i32
    %dma_wait3A_20 = arith.constant 0 : i32
    %dma_wait3A_21 = tpu.memref_slice %arg4[%dma_wait3A_19, %dma_wait3A_20] : memref<3276800x16xf32, #tpu.memory_space<hbm>> -> memref<2048x16xf32, #tpu.memory_space<hbm>>
    %dma_wait3A_22 = arith.constant 0 : i32
    %dma_wait3A_23 = arith.constant 0 : i32
    %dma_wait3A_24 = tpu.memref_slice %arg4[%dma_wait3A_22, %dma_wait3A_23] : memref<3276800x16xf32, #tpu.memory_space<hbm>> -> memref<2048x16xf32, #tpu.memory_space<hbm>>
    tpu.wait_dma2 semaphore(%arg16 : memref<!tpu.dma_semaphore, #tpu.memory_space<semaphore_mem>>) src(%arg10 : memref<2048x16xf32, #tpu.memory_space<vmem>>) dst(%dma_wait3A_24 : memref<2048x16xf32, #tpu.memory_space<hbm>>)
    return
  }
}

</mosaic_0001>

<sc_bundles>
// kernel: kernel.3.cloned.1.call-start
scs
__scs_entry_jumppad:
0x0: {  	(pc) =	sbr.rel $0x88, $3  }
0x1: {  	(tag) =	ssettag $0x0;
	lr =	simm.s32 $0x1  }
0x2: {  	[smem:$0x3F9F] =	sst lr;
	_ =	strace $0xD0000000  }
0x3: {  	_ = 	snop  }
0x4: {  	_ = 	snop  }
0x5: {  	_ = 	snop  }
0x6: {  	_ = 	snop  }
0x7: {  	_ = 	snop  }
__scs_overlays_trampoline_lowered:
0x8: {  	[smem:$0x3FAE] =	sst s0  }
0x9: {  	[smem:$0x3FAF] =	sst s1  }
0xa: {  	[smem:$0x3FB0] =	sst s2  }
0xb: {  	[smem:$0x3FB1] =	sst s3  }
0xc: {  	[smem:$0x3FB2] =	sst s4  }
0xd: {  	[smem:$0x3FB3] =	sst s5  }
0xe: {  	[smem:$0x3FB4] =	sst s6  }
0xf: {  	[smem:$0x3FB5] =	sst s7  }
0x10: {  	[smem:$0x3FB6] =	sst s8  }
0x11: {  	[smem:$0x3FB7] =	sst s9;
	s0 =	simm.s32 @!p0 $0x0  }
0x12: {  	s1 =	sld [smem:$0x3F9D];
	s0 =	simm.s32 @p0 $0x1  }
0x13: {  	[smem:$0x3FB8] =	sst s0;
	s0 =	simm.s32 @!p1 $0x0  }
0x14: {  	s2 =	sld [smem:$0x3F9C];
	s0 =	simm.s32 @p1 $0x1  }
0x15: {  	[smem:$0x3FB9] =	sst s0;
	s0 =	simm.s32 @!p2 $0x0  }
0x16: {  	s3 =	sld [smem:$0x3FDB];
	s0 =	simm.s32 @p2 $0x1  }
0x17: {  	s4 =	simm.s32 $0x1BF5;
	[smem:$0x3FBB] =	sst s0  }
0x18: {  	s0 =	sld [smem:$0x3F9E];
	_ =	swait.ge [sflag:s4], $0x0  }
0x19: {  	s7 =	sld [smem:$0x3F9F]  }
0x1a: {  	s8 =	sadd.s32 $0xFFFFE003, lr  }
0x1b: {  	s9 =	sadd.s32 $0xFFFFFEF7, lr;
	s5 =	simm.s32 $0xFFFFFFFF;
	p2 =	slt.u32 s8, $0xFFFFF086  }
0x1c: {  	p1 =	slt.u32 s9, $0xF7A;
	s5 =	simm.s32 @!p2 $0x0  }
0x1d: {  	s5 =	simm.s32 @p1 $0x1;
	p0 =	seq.s32 s7, s2  }
0x1e: {  	s7 =	smul.u32 @!p0 $0xF7A, s2;
	p2 =	seq.s32 @!p0 s5, $0x0  }
0x1f: {  	s9 =	smul.u32 $0xF7A, s1;
	s8 =	simm.s32 @!p0 $0x1BF5;
	p2 =	por !p2, p0  }
0x20: {  	[sflag:s8] =	ssyncset.s32 @!p0 $0xFFFFF086;
	s6 =	sadd.s32 @!p0 s3, s7;
	s7 =	simm.s32 @!p0 $0x108  }
0x21: {  	s3 =	sadd.s32 s3, s9;
	s6 =	sadd.s32 @!p0 $0x88, s6;
	s7 =	simm.s32 @p2 $0x1082  }
0x22: {  	[simem:s7], [sflag:s8] =	dma.local @!p0 [hbm:s6], $0xF7A  }
0x23: {  	s9 =	sor.u32 $0xD0000000, s2;
	s6 =	simm.s32 $0x108;
	_ =	swait.ge @!p0 [sflag:s8], $0x0  }
0x24: {  	s3 =	sadd.s32 $0x88, s3;
	s6 =	simm.s32 @!p1 $0x1082;
	[sflag:s4] =	ssyncset.s32 $0xFFFFF086  }
0x25: {  	[simem:s6], [sflag:s4] =	dma.local [hbm:s3], $0xF7A  }
0x26: {  	[smem:$0x3F9F] =	sst s1;
	(tag) =	ssettag s2;
	_ =	strace s9  }
0x27: {  	s1 =	sld [smem:$0x3FAF]  }
0x28: {  	s2 =	sld [smem:$0x3FB0]  }
0x29: {  	s4 =	sld [smem:$0x3FB2]  }
0x2a: {  	p0 =	seq.s32 s5, $0x0;
	s5 =	sld [smem:$0x3FB3]  }
0x2b: {  	s6 =	sld [smem:$0x3FB4]  }
0x2c: {  	s7 =	sld [smem:$0x3FB5]  }
0x2d: {  	s3 =	simm.s32 $0x108;
	s8 =	sld [smem:$0x3FB6]  }
0x2e: {  	s3 =	simm.s32 @!p0 $0x1082;
	s9 =	sld [smem:$0x3FB7]  }
0x2f: {  	lr =	sadd.s32 s0, s3;
	s0 =	sld [smem:$0x3FAE]  }
0x30: {  	s3 =	sld [smem:$0x3FB1]  }
0x31: {  	[smem:$0x3FBA] =	sst s10  }
0x32: {  	s10 =	sld [smem:$0x3FB8];
	_ =	sdelay $0x3  }
0x33: {  	p0 =	seq.s32 s10, $0x1;
	s10 =	sld [smem:$0x3FBA];
	_ =	sdelay $0x3  }
0x34: {  	[smem:$0x3FBA] =	sst s10  }
0x35: {  	s10 =	sld [smem:$0x3FB9];
	_ =	sdelay $0x3  }
0x36: {  	p1 =	seq.s32 s10, $0x1;
	s10 =	sld [smem:$0x3FBA];
	_ =	sdelay $0x3  }
0x37: {  	[smem:$0x3FBA] =	sst s10  }
0x38: {  	s10 =	sld [smem:$0x3FBB]  }
0x39: {  	_ = 	snop;
	(pc) =	sbr.ind lr, $3  }
0x3a: {  	_ = 	snop  }
0x3b: {  	_ = 	snop  }
0x3c: {  	p2 =	seq.s32 s10, $0x1;
	s10 =	sld [smem:$0x3FBA]  }
0x3d: {  	_ =	shalt  }
0x3e: {  	_ =	shalt  }
0x3f: {  	_ =	shalt  }
0x40: {  	_ =	shalt  }
0x41: {  	_ =	shalt  }
0x42: {  	_ =	shalt  }
0x43: {  	_ =	shalt  }
0x44: {  	_ =	shalt  }
0x45: {  	_ =	shalt  }
0x46: {  	_ =	shalt  }
0x47: {  	_ =	shalt  }
0x48: {  	_ =	shalt  }
0x49: {  	_ =	shalt  }
0x4a: {  	_ =	shalt  }
0x4b: {  	_ =	shalt  }
0x4c: {  	_ =	shalt  }
0x4d: {  	_ =	shalt  }
0x4e: {  	_ =	shalt  }
0x4f: {  	_ =	shalt  }
0x50: {  	_ =	shalt  }
0x51: {  	_ =	shalt  }
0x52: {  	_ =	shalt  }
0x53: {  	_ =	shalt  }
0x54: {  	_ =	shalt  }
0x55: {  	_ =	shalt  }
0x56: {  	_ =	shalt  }
0x57: {  	_ =	shalt  }
0x58: {  	_ =	shalt  }
0x59: {  	_ =	shalt  }
0x5a: {  	_ =	shalt  }
0x5b: {  	_ =	shalt  }
0x5c: {  	_ =	shalt  }
0x5d: {  	_ =	shalt  }
0x5e: {  	_ =	shalt  }
0x5f: {  	_ =	shalt  }
0x60: {  	_ =	shalt  }
0x61: {  	_ =	shalt  }
0x62: {  	_ =	shalt  }
0x63: {  	_ =	shalt  }
0x64: {  	_ =	shalt  }
0x65: {  	_ =	shalt  }
0x66: {  	_ =	shalt  }
0x67: {  	_ =	shalt  }
0x68: {  	_ =	shalt  }
0x69: {  	_ =	shalt  }
0x6a: {  	_ =	shalt  }
0x6b: {  	_ =	shalt  }
0x6c: {  	_ =	shalt  }
0x6d: {  	_ =	shalt  }
0x6e: {  	_ =	shalt  }
0x6f: {  	_ =	shalt  }
0x70: {  	_ =	shalt  }
0x71: {  	_ =	shalt  }
0x72: {  	_ =	shalt  }
0x73: {  	_ =	shalt  }
0x74: {  	_ =	shalt  }
0x75: {  	_ =	shalt  }
0x76: {  	_ =	shalt  }
0x77: {  	_ =	shalt  }
0x78: {  	_ =	shalt  }
0x79: {  	_ =	shalt  }
0x7a: {  	_ =	shalt  }
0x7b: {  	_ =	shalt  }
0x7c: {  	_ =	shalt  }
0x7d: {  	_ =	shalt  }
0x7e: {  	_ =	shalt  }
0x7f: {  	_ =	shalt  }
0x80: {  	_ =	shalt  }
0x81: {  	_ =	shalt  }
0x82: {  	_ =	shalt  }
0x83: {  	_ =	shalt  }
0x84: {  	_ =	shalt  }
0x85: {  	_ =	shalt  }
0x86: {  	_ =	shalt  }
0x87: {  	_ =	shalt  }
.Lfunc_end0:
.L_simem_size_0:
called_computation.1_lowered:
.L_overlay_start_0:
0x88: {  	s2 =	sld [smem:$0x3FD9]  }
0x89: {  	s3 =	sld [smem:$0x3FFE];
	_ =	sdelay $0x1  }
0x8a: {  	s1 =	srdreg.scid  }
0x8b: {  	s0 =	sand.u32 $0x1, s1  }
0x8c: {  	s17 =	sshll.u32 s0, $0xA;
	s2 =	sadd.s32 s3, s2  }
0x8d: {  	s2 =	sadd.s32 s2, s17  }
0x8e: {  	[smem:$0x3FC6] =	sst s2  }
0x8f: {  	_ = 	snop  }
0x90: {  	s2 =	sld [smem:$0x3FD0];
	(tm) =	ssettm $0x1  }
0x91: {  	s18 =	sld [smem:$0x3FFB];
	_ =	sdelay $0x3  }
0x92: {  	_ =	strace s18  }
0x93: {  	s3 =	sld [smem:$0x3FFC];
	_ =	sdelay $0x3  }
0x94: {  	_ =	strace s3  }
0x95: {  	s3 =	sld [smem:$0x3FFD];
	_ =	sdelay $0x3  }
0x96: {  	_ =	strace s3  }
0x97: {  	_ =	strace $0x8FFFFFFF  }
0x98: {  	s19 =	sld [smem:$0x3FDB];
	_ =	sdelay $0x1  }
0x99: {  	s4 =	simm.s32 $_scs_section_size  }
0x9a: {  	s5 =	simm.s32 $_size__tile_overlayer_lowered;
	s6 =	simm.s32 $_tile_overlayer_lowered  }
0x9b: {  	s22 =	simm.s32 $0x1BFF;
	s21 =	sshll.u32 s6, $0x1;
	s3 =	sadd.s32 s4, s19  }
0x9c: {  	s7 =	simm.s32 $0x0;
	s20 =	sshll.u32 s5, $0x1;
	s5 =	sadd.s32 s21, s3  }
0x9d: {  	[timem:s7], [sflag:s22] =	dma.local [hbm:s5], s20  }
0x9e: {  	_ =	swait.ge [sflag:s22], s20  }
0x9f: {  	s4 =	ssub.s32 $0x0, s20;
	[sflag:s22] =	ssyncset.done $0x0  }
0xa0: {  	[sflag:s22] =	ssyncadd.s32 s4;
	_ =	sdelay $0x1  }
0xa1: {  	s23 =	simm.s32 $0x1B8B  }
0xa2: {  	_ =	swait.ge [sflag:s23], $0x1  }
0xa3: {  	[sflag:s23] =	ssyncset.done $0x0  }
0xa4: {  	s25 =	simm.s32 $0x1B8E;
	s24 =	sld [smem:$0x3FFE];
	[sflag:s23] =	ssyncadd.s32 $0xFFFFFFFF  }
0xa5: {  	s26 =	simm.s32 $execute0_lowered;
	[smem:$0x3FD2] =	sst s25  }
0xa6: {  	s5 =	sshll.u32 s26, $0x1;
	_ =	strace $0x80000046;
	[dreg:$0x1] =	wrdreg $0xFFFFFFFF  }
0xa7: {  	s28 =	simm.s32 $_size_execute0_lowered;
	s3 =	sadd.s32 s3, s5;
	[dreg:$0x0] =	wrdreg $0x0  }
0xa8: {  	s5 =	sshll.u32 s28, $0x1;
	[dreg:$0x2] =	wrdreg s3  }
0xa9: {  	[dreg:$0x3] =	wrdreg s5  }
0xaa: {  	[dreg:$0x4] =	wrdreg $0xC0  }
0xab: {  	_ =	task [dreg:s7], $0x5FFFF  }
0xac: {  	[dreg:$0x1] =	wrdreg $0xFFFFFFFF  }
0xad: {  	[dreg:$0x0] =	wrdreg $0x60  }
0xae: {  	[dreg:$0x2] =	wrdreg s24  }
0xaf: {  	[dreg:$0x3] =	wrdreg s2  }
0xb0: {  	[dreg:$0x4] =	wrdreg $0x9  }
0xb1: {  	_ =	task.clear_ibuf [dreg:s7], $0x5FFFF;
	_ =	strace $0x90000046  }
0xb2: {  	s29 =	simm.s32 $0x9;
	_ =	strace $0x80000048  }
0xb3: {  	_ =	swait.ge [sflag:s29], $0x1  }
0xb4: {  	[sflag:s29] =	ssyncadd.s32 $0xFFFFFFFF  }
0xb5: {  	_ =	strace $0x90000048  }
0xb6: {  	_ =	sfence  }
0xb7: {  	s30 =	sld [smem:$0x0];
	_ =	sdelay $0x2  }
0xb8: {  	s31 =	sshll.u32 s1, $0xD;
	s1 =	sshrl.u32 s1, $0x2  }
0xb9: {  	s3 =	sand.u32 $0x4000, s31;
	s1 =	sadd.s32 s1, s30  }
0xba: {  	s0 =	sor.u32 s3, s0;
	s1 =	sshll.u32 s1, $0x11  }
0xbb: {  	s0 =	sor.u32 s1, s0  }
0xbc: {  	s0 =	sadd.s32 $0x8F2B, s0  }
0xbd: {  	[sflag:s0] =	ssyncadd.remote.s32 $0x1  }
0xbe: {  	_ =	sfence.sel $0xFFFF  }
0xbf: {  	[dreg:$0x0] =	wrdreg $0xFFFFFFFF;
	(pc) =	sbr.abs _section_cstart, $3  }
0xc0: {  	[dreg:$0x1] =	wrdreg $0xFFFFFFFF  }
0xc1: {  	_ =	task.clear_ibuf [dreg:s7], $0x2FFFF;
	_ =	strace $0x9FFFFFFF  }
0xc2: {  	(tm) =	ssettm $0x7FFFFFFF  }
0xc3: {  	_ =	shalt  }
tec
execute0_lowered:
.L_overlay_start_1:
0x0: {  	(tag) =	ssettag $0x1  }
0x1: {  	s6 =	rddreg [dreg:$0x0]  }
0x2: {  	s2 =	rddreg [dreg:$0x1]  }
0x3: {  	s0 =	rddreg [dreg:$0x2]  }
0x4: {  	s4 =	srdreg.scid;
	s1 =	stileid.u32  }
0x5: {  	s3 =	simm.s32 $0x0;
	s11 =	simm.s32 $0x7;
	s12 =	simm.s32 $0x800  }
0x6: {  	s13 =	simm.s32 $0x1800;
	s14 =	simm.s32 $0x2;
	s15 =	simm.s32 $0x9800  }
0x7: {  	s16 =	simm.s32 $0x3;
	s17 =	simm.s32 $0x11800;
	s18 =	simm.s32 $0x1000  }
0x8: {  	s19 =	simm.s32 $0x1;
	s20 =	simm.s32 $0x4;
	s21 =	simm.s32 $0x5  }
0x9: {  	s22 =	simm.s32 $0x6;
	s23 =	simm.s32 $0x0;
	s4 =	sand.u32 $0x1, s4  }
.Ltmp0:
0xa: {  	s5 =	sshll.u32 s1, $0x1;
	[smem:$0x7FF] =	sst s3;
	(pc) =	sbr.rel .LBB2_1-.Ltmp0, $4  }
0xb: {  	v0 =	vlaneseq.u32;
	s7 =	sor.u32 s4, s5;
	_ =	strace $0x80000047;
	s8 =	ssub.s32 $0x2, s4  }
0xc: {  	v7 =	vmul.u32 $0x10, v0;
	s5 =	sadd.s32 $0x800, s6;
	s4 =	smul.u32 $0x19000, s7;
	s9 =	sshrl.u32 s8, $0x1  }
0xd: {  	s6 =	sadd.s32 $0xFA6C00, s6;
	s7 =	smul.u32 $0x190000, s7;
	s10 =	ssub.s32 s8, s9  }
0xe: {  	[tilespmem:$0x1FFF0] =	vst v7;
	s8 =	sor.u32 $0x800, s4;
	s9 =	sadd.s32 $0x1000, s4;
	s10 =	smax.u32 s10, $0x1  }
.LBB2_22:
0xf: {  	_ =	swait.ge [sflag:s20], $0x8000  }
0x10: {  	[sflag:s20] =	ssyncset.done $0x0  }
0x11: {  	s23 =	sadd.s32 $0x1, s23;
	[sflag:s20] =	ssyncadd.s32 $0xFFFF8000  }
0x12: {  	p0 =	sne.s32 s23, s10;
	_ =	swait.ge [sflag:s21], $0x8000  }
.Ltmp1:
0x13: {  	[sflag:s21] =	ssyncset.done $0x0;
	(pc) =	sbr.rel @!p0 .LBB2_23-.Ltmp1, $4  }
0x14: {  	[sflag:s21] =	ssyncadd.s32 $0xFFFF8000  }
0x15: {  	_ =	swait.ge [sflag:s22], $0x8000  }
0x16: {  	[sflag:s22] =	ssyncset.done $0x0  }
0x17: {  	[sflag:s22] =	ssyncadd.s32 $0xFFFF8000  }
.LBB2_1:
0x18: {  	s24 =	simm.s32 $0x0  }
.LBB2_2:
0x19: {  	p0 =	seq.s32 s24, $0x0  }
.Ltmp2:
0x1a: {  	_ = 	snop;
	(pc) =	sbr.rel @p0 .LBB2_5-.Ltmp2, $2  }
0x1b: {  	_ =	sdelay $0x2  }
0x1c: {  	s26 =	smul.u32 $0x3, s24  }
0x1d: {  	p1 =	seq.s32 s24, $0x11  }
.Ltmp3:
0x1e: {  	_ = 	snop;
	(pc) =	sbr.rel @p1 .LBB2_6-.Ltmp3, $2  }
0x1f: {  	_ =	sdelay $0x2  }
0x20: {  	s25 =	simm.s32 $0x31  }
0x21: {  	_ =	swait.ge [sflag:s20], $0x8000  }
0x22: {  	[sflag:s20] =	ssyncset.done $0x0  }
0x23: {  	[sflag:s20] =	ssyncadd.s32 $0xFFFF8000  }
.LBB2_5:
0x24: {  	s25 =	smul.u32 $0x1800, s24;
	_ =	sdelay $0x1  }
0x25: {  	s25 =	sadd.s32 s4, s25  }
0x26: {  	s25 =	sshrl.u32 s25, $0x3  }
0x27: {  	s25 =	sadd.s32 s5, s25  }
0x28: {  	[tilespmem:s3], [sflag:$0x7] =	stream.linear.gather [hbm4b:s25+s3], $0x800, $0x38;
	[tilespmem:$0x19800] =	vst v63  }
0x29: {  	s25 =	sadd.s32 $0xFFFFFFFE, s26  }
0x2a: {  	p1 =	sgt.u32 s25, $0x31  }
.Ltmp4:
0x2b: {  	_ = 	snop;
	(pc) =	sbr.rel @p1 .LBB2_9-.Ltmp4, $4  }
0x2c: {  	_ =	swait.ge [sflag:s11], $0x800  }
0x2d: {  	[sflag:s11] =	ssyncset.done $0x0  }
0x2e: {  	[sflag:s11] =	ssyncadd.s32 $0xFFFFF800  }
0x2f: {  	[tilespmem:s13], [sflag:$0x1] =	stream.indirect.gather [hbm4b:s6+s12], $0x10, s3, s12, $0xb8;
	[tilespmem:$0x19800] =	vst v63  }
.LBB2_6:
0x30: {  	s28 =	simm.s32 $0x0  }
0x31: {  	v0 =	vmov s28  }
0x32: {  	v0 =	vshll.u32 v0, $0x4  }
0x33: {  	v43 =	vor.u32 v7, v0  }
0x34: {  	v39 =	vor.u32 $0x1, v43  }
0x35: {  	_ =	swait.ge [sflag:s14], $0x8000  }
0x36: {  	[sflag:s14] =	ssyncset.done $0x0;
	v47 =	vor.u32 $0x2, v43  }
0x37: {  	[sflag:s14] =	ssyncadd.s32 $0xFFFF8000  }
0x38: {  	v49 =	vor.u32 $0x3, v43;
	v45 =	vld.idx.msk [tilespmem:v43+s15+$0x0], $0xffff  }
0x39: {  	v51 =	vld.idx.msk [tilespmem:v39+s15+$0x0], $0xffff  }
0x3a: {  	v50 =	vor.u32 $0x4, v43  }
0x3b: {  	v3 =	vld.idx.msk [tilespmem:v47+s15+$0x0], $0xffff  }
0x3c: {  	v55 =	vor.u32 $0x5, v43  }
0x3d: {  	v2 =	vld.idx.msk [tilespmem:v49+s15+$0x0], $0xffff  }
0x3e: {  	v53 =	vor.u32 $0x6, v43;
	v1 =	vmul.f32 v45, v45;
	v4 =	vmul.f32 v51, v51  }
0x3f: {  	v48 =	vld.idx.msk [tilespmem:v50+s15+$0x0], $0xffff  }
0x40: {  	v52 =	vor.u32 $0x7, v43;
	v5 =	vmul.f32 v3, v3;
	v4 =	vadd.f32 v4, v1  }
0x41: {  	v8 =	vor.u32 $0x8, v43;
	v1 =	vld.idx.msk [tilespmem:v55+s15+$0x0], $0xffff  }
0x42: {  	v6 =	vmul.f32 v2, v2;
	[tilespmem:$0x1FFE0] =	vst v8;
	v4 =	vadd.f32 v5, v4  }
0x43: {  	v60 =	vld.idx.msk [tilespmem:v53+s15+$0x0], $0xffff  }
0x44: {  	v54 =	vor.u32 $0x9, v43;
	v5 =	vmul.f32 v48, v48;
	v4 =	vadd.f32 v6, v4  }
0x45: {  	v61 =	vld.idx.msk [tilespmem:v52+s15+$0x0], $0xffff  }
0x46: {  	v0 =	vor.u32 $0xA, v43;
	v4 =	vadd.f32 v5, v4;
	v5 =	vmul.f32 v1, v1  }
0x47: {  	v62 =	vld.idx.msk [tilespmem:v8+s15+$0x0], $0xffff  }
0x48: {  	v37 =	vor.u32 $0xB, v43;
	v4 =	vadd.f32 v5, v4;
	v5 =	vmul.f32 v60, v60  }
0x49: {  	v63 =	vld.idx.msk [tilespmem:v54+s15+$0x0], $0xffff  }
0x4a: {  	[tilespmem:$0x1FF30] =	vst v0;
	v6 =	vor.u32 $0xC, v43;
	v4 =	vadd.f32 v5, v4;
	v5 =	vmul.f32 v61, v61  }
0x4b: {  	v56 =	vld.idx.msk [tilespmem:v0+s15+$0x0], $0xffff  }
0x4c: {  	v9 =	vor.u32 $0xD, v43;
	v4 =	vadd.f32 v5, v4;
	v5 =	vmul.f32 v62, v62  }
0x4d: {  	v10 =	vld.idx.msk [tilespmem:v37+s15+$0x0], $0xffff  }
0x4e: {  	v0 =	vor.u32 $0xE, v43;
	[tilespmem:$0x1FF40] =	vst v6;
	v4 =	vadd.f32 v5, v4;
	v5 =	vmul.f32 v63, v63  }
0x4f: {  	v36 =	vld.idx.msk [tilespmem:v6+s15+$0x0], $0xffff  }
0x50: {  	v6 =	vor.u32 $0xF, v43;
	[tilespmem:$0x1FF50] =	vst v9;
	v4 =	vadd.f32 v5, v4;
	v5 =	vmul.f32 v56, v56  }
0x51: {  	v31 =	vld.idx.msk [tilespmem:v9+s15+$0x0], $0xffff  }
0x52: {  	[tilespmem:$0x1FF60] =	vst v0;
	v4 =	vadd.f32 v5, v4;
	v5 =	vmul.f32 v10, v10  }
0x53: {  	v27 =	vld.idx.msk [tilespmem:v0+s15+$0x0], $0xffff  }
0x54: {  	s28 =	simm.s32 $0x10;
	v4 =	vadd.f32 v5, v4;
	v5 =	vmul.f32 v36, v36  }
0x55: {  	v38 =	vmov s28;
	v34 =	vld.idx.msk [tilespmem:v6+s15+$0x0], $0xffff  }
0x56: {  	v9 =	vshll.u32 v38, $0x4;
	v4 =	vadd.f32 v5, v4;
	v5 =	vmul.f32 v31, v31  }
0x57: {  	v14 =	vor.u32 v7, v9  }
0x58: {  	v0 =	vor.u32 $0x1, v14;
	v4 =	vadd.f32 v5, v4;
	v5 =	vmul.f32 v27, v27;
	_ =	sdelay $0x1  }
0x59: {  	v16 =	vmovc v6;
	v6 =	vor.u32 $0x2, v14;
	v40 =	vmul.f32 v34, v34;
	v4 =	vadd.f32 v5, v4;
	_ =	sdelay $0x1  }
0x5a: {  	v11 =	vld.idx.msk [tilespmem:v14+s15+$0x0], $0xffff;
	[tilespmem:$0x1FF70] =	vst v0;
	v5 =	vor.u32 $0x3, v14;
	v4 =	vadd.f32 v40, v4  }
0x5b: {  	v17 =	vld.idx.msk [tilespmem:v0+s15+$0x0], $0xffff  }
0x5c: {  	v41 =	vor.u32 $0x4, v14;
	[tilespmem:$0x1FF80] =	vst v6;
	v9 =	vmax.f32 v4, $1.000000000e+00  }
0x5d: {  	v12 =	vld.idx.msk [tilespmem:v6+s15+$0x0], $0xffff;
	v0 =	vshrl.u32 v9, $0x1;
	v28 =	vmul.f32 $5.000000000e-01, v9  }
0x5e: {  	v6 =	vor.u32 $0x5, v14;
	[tilespmem:$0x1FF90] =	vst v5;
	v23 =	vsub.s32 $0x5F3759DF, v0  }
0x5f: {  	v42 =	vld.idx.msk [tilespmem:v5+s15+$0x0], $0xffff;
	v0 =	vmul.f32 v23, v28  }
0x60: {  	v20 =	vmul.f32 v11, v11;
	v22 =	vmul.f32 v17, v17;
	v5 =	vor.u32 $0x6, v14;
	[tilespmem:$0x1FFA0] =	vst v41  }
0x61: {  	v44 =	vld.idx.msk [tilespmem:v41+s15+$0x0], $0xffff;
	v0 =	vmul.f32 v23, v0  }
0x62: {  	v46 =	vor.u32 $0x7, v14;
	v24 =	vmul.f32 v12, v12;
	v22 =	vadd.f32 v22, v20;
	[tilespmem:$0x1FFB0] =	vst v6  }
0x63: {  	v20 =	vld.idx.msk [tilespmem:v6+s15+$0x0], $0xffff;
	v25 =	vsub.f32 $1.500000000e+00, v0  }
0x64: {  	v24 =	vadd.f32 v24, v22;
	[tilespmem:$0x1FFC0] =	vst v5;
	v26 =	vmul.f32 v42, v42;
	v0 =	vor.u32 $0x8, v14  }
0x65: {  	v22 =	vld.idx.msk [tilespmem:v5+s15+$0x0], $0xffff;
	v33 =	vmul.f32 v23, v25  }
0x66: {  	v24 =	vadd.f32 v26, v24;
	v23 =	vor.u32 $0x9, v14;
	v25 =	vmul.f32 v44, v44  }
0x67: {  	v30 =	vld.idx.msk [tilespmem:v46+s15+$0x0], $0xffff;
	v29 =	vmul.f32 v33, v28  }
0x68: {  	v26 =	vor.u32 $0xA, v14;
	v35 =	vmul.f32 v20, v20;
	[tilespmem:$0x1FFD0] =	vst v0;
	v32 =	vadd.f32 v25, v24  }
0x69: {  	v25 =	vld.idx.msk [tilespmem:v0+s15+$0x0], $0xffff;
	v29 =	vmul.f32 v29, v33  }
0x6a: {  	v15 =	vmovc v37;
	v24 =	vor.u32 $0xB, v14;
	v37 =	vmul.f32 v22, v22;
	v35 =	vadd.f32 v35, v32  }
0x6b: {  	v32 =	vld.idx.msk [tilespmem:v23+s15+$0x0], $0xffff;
	v38 =	vsub.f32 $1.500000000e+00, v29  }
0x6c: {  	v40 =	vmul.f32 v30, v30;
	v37 =	vadd.f32 v37, v35  }
0x6d: {  	v13 =	vmovc v17;
	v17 =	vmov v44;
	v29 =	vor.u32 $0xC, v14;
	v35 =	vld.idx.msk [tilespmem:v26+s15+$0x0], $0xffff;
	v44 =	vmul.f32 v38, v33  }
0x6e: {  	v37 =	vadd.f32 v40, v37;
	v9 =	vmul.f32 v25, v25  }
0x6f: {  	v33 =	vor.u32 $0xD, v14;
	v40 =	vld.idx.msk [tilespmem:v24+s15+$0x0], $0xffff;
	v28 =	vmul.f32 v44, v28  }
0x70: {  	v37 =	vadd.f32 v9, v37;
	v41 =	vmul.f32 v32, v32  }
0x71: {  	v38 =	vor.u32 $0xE, v14;
	v28 =	vmul.f32 v28, v44  }
0x72: {  	v19 =	vmovc v46;
	v59 =	vmov v42;
	v46 =	vmul.f32 v35, v35;
	v42 =	vadd.f32 v41, v37;
	v41 =	vld.idx.msk [tilespmem:v29+s15+$0x0], $0xffff  }
0x73: {  	v37 =	vor.u32 $0xF, v14;
	v28 =	vsub.f32 $1.500000000e+00, v28  }
0x74: {  	s28 =	simm.s32 $0x20;
	v57 =	vmul.f32 v40, v40;
	v46 =	vadd.f32 v46, v42;
	v42 =	vld.idx.msk [tilespmem:v33+s15+$0x0], $0xffff  }
0x75: {  	v58 =	vmul.f32 v28, v44;
	v28 =	vmov s28  }
0x76: {  	vm0 =	vgt.f32 v4, $1.000000000e+00;
	v46 =	vadd.f32 v57, v46;
	v44 =	vld.idx.msk [tilespmem:v38+s15+$0x0], $0xffff;
	v4 =	vshll.u32 v28, $0x4  }
0x77: {  	v28 =	vor.u32 v7, v4;
	v58 =	vnsel vm0, $0x3F800000, v58;
	v4 =	vmul.f32 v41, v41  }
0x78: {  	v18 =	vmov v11;
	v11 =	vmul.f32 v58, v45;
	v45 =	vld.idx.msk [tilespmem:v37+s15+$0x0], $0xffff  }
0x79: {  	v0 =	vmul.f32 v42, v42;
	v4 =	vadd.f32 v4, v46  }
0x7a: {  	v51 =	vmul.f32 v58, v51;
	v3 =	vmul.f32 v58, v3  }
0x7b: {  	[tilespmem:v43+s15+$0x0] =	vst.idx.msk $0xffff, v11;
	v0 =	vadd.f32 v0, v4;
	v4 =	vmul.f32 v44, v44  }
0x7c: {  	v2 =	vmul.f32 v58, v2;
	[tilespmem:v39+s15+$0x0] =	vst.idx.msk $0xffff, v51  }
0x7d: {  	[tilespmem:v47+s15+$0x0] =	vst.idx.msk $0xffff, v3;
	v0 =	vadd.f32 v4, v0;
	v3 =	vmul.f32 v45, v45  }
0x7e: {  	[tilespmem:v49+s15+$0x0] =	vst.idx.msk $0xffff, v2;
	v2 =	vmul.f32 v58, v48  }
0x7f: {  	v57 =	vadd.f32 v3, v0;
	v0 =	vmul.f32 v58, v1  }
0x80: {  	v46 =	vor.u32 $0x1, v28;
	[tilespmem:v50+s15+$0x0] =	vst.idx.msk $0xffff, v2;
	v1 =	vmul.f32 v58, v60  }
0x81: {  	v3 =	vmul.f32 v58, v61;
	[tilespmem:v55+s15+$0x0] =	vst.idx.msk $0xffff, v0  }
0x82: {  	[tilespmem:v53+s15+$0x0] =	vst.idx.msk $0xffff, v1  }
0x83: {  	v43 =	vor.u32 $0x2, v28;
	v39 =	vld.idx.msk [tilespmem:v28+s15+$0x0], $0xffff;
	[tilespmem:v52+s15+$0x0] =	vst.idx.msk $0xffff, v3  }
0x84: {  	v4 =	vld [tilespmem:$0x1FFE0]  }
0x85: {  	v48 =	vor.u32 $0x3, v28;
	v47 =	vld.idx.msk [tilespmem:v46+s15+$0x0], $0xffff  }
0x86: {  	v49 =	vor.u32 $0x4, v28;
	_ =	sdelay $0x1  }
0x87: {  	v63 =	vmul.f32 v58, v63;
	v51 =	vld.idx.msk [tilespmem:v43+s15+$0x0], $0xffff;
	v2 =	vmax.f32 v57, $1.000000000e+00  }
0x88: {  	v50 =	vor.u32 $0x6, v28;
	v0 =	vmul.f32 v39, v39;
	v60 =	vmul.f32 $5.000000000e-01, v2  }
0x89: {  	v1 =	vmul.f32 v58, v62;
	v2 =	vshrl.u32 v2, $0x1;
	v53 =	vld.idx.msk [tilespmem:v48+s15+$0x0], $0xffff;
	v3 =	vmul.f32 v47, v47  }
0x8a: {  	v21 =	vmovc v12;
	v61 =	vmul.f32 v58, v56;
	v56 =	vor.u32 $0x7, v28;
	v55 =	vld.idx.msk [tilespmem:v49+s15+$0x0], $0xffff;
	v2 =	vsub.s32 $0x5F3759DF, v2  }
0x8b: {  	v52 =	vor.u32 $0x5, v28;
	v62 =	vmul.f32 v2, v60;
	v3 =	vadd.f32 v3, v0;
	[tilespmem:v4+s15+$0x0] =	vst.idx.msk $0xffff, v1  }
0x8c: {  	s28 =	simm.s32 $0x30;
	v0 =	vmul.f32 v58, v10;
	v4 =	vmul.f32 v51, v51;
	[tilespmem:v54+s15+$0x0] =	vst.idx.msk $0xffff, v63;
	v54 =	vor.u32 $0x8, v28  }
.LBB2_7:
0x8d: {  	v5 =	vld [tilespmem:$0x1FF30];
	_ =	sdelay $0x7  }
0x8e: {  	v3 =	vadd.f32 v4, v3;
	v4 =	vld [tilespmem:$0x1FF40];
	[tilespmem:v5+s15+$0x0] =	vst.idx.msk $0xffff, v61;
	v5 =	vmov v26  }
0x8f: {  	[tilespmem:$0x1FF30] =	vst v5;
	v5 =	vld [tilespmem:$0x1FF50];
	_ =	sdelay $0x3  }
0x90: {  	v1 =	vmul.f32 v2, v62  }
0x91: {  	v36 =	vmul.f32 v58, v36;
	v63 =	vmov v20;
	v20 =	vld.idx.msk [tilespmem:v52+s15+$0x0], $0xffff  }
0x92: {  	v62 =	vmov v22;
	v1 =	vsub.f32 $1.500000000e+00, v1;
	v22 =	vld.idx.msk [tilespmem:v50+s15+$0x0], $0xffff;
	[tilespmem:v15+s15+$0x0] =	vst.idx.msk $0xffff, v0;
	v0 =	vmul.f32 v58, v31  }
0x93: {  	[tilespmem:v4+s15+$0x0] =	vst.idx.msk $0xffff, v36;
	v4 =	vmul.f32 v58, v27  }
0x94: {  	[tilespmem:v5+s15+$0x0] =	vst.idx.msk $0xffff, v0;
	v5 =	vmul.f32 v58, v34;
	v58 =	vmul.f32 v2, v1;
	v1 =	vld [tilespmem:$0x1FF60];
	_ =	sdelay $0x3  }
0x95: {  	v26 =	vmul.f32 v53, v53  }
0x96: {  	v6 =	vmov v23  }
0x97: {  	v7 =	vmov v29;
	[tilespmem:$0x1FF20] =	vst v6;
	v27 =	vmul.f32 v55, v55;
	v6 =	vadd.f32 v26, v3  }
0x98: {  	v23 =	vor.u32 $0x9, v28;
	[tilespmem:$0x1FF40] =	vst v7;
	v61 =	vmov v30  }
0x99: {  	v30 =	vld.idx.msk [tilespmem:v56+s15+$0x0], $0xffff;
	[tilespmem:v1+s15+$0x0] =	vst.idx.msk $0xffff, v4;
	v4 =	vadd.f32 v27, v6;
	v6 =	vmul.f32 v58, v60  }
0x9a: {  	v34 =	vmov v45;
	v45 =	vld [tilespmem:$0x1FF90];
	[tilespmem:v16+s15+$0x0] =	vst.idx.msk $0xffff, v5;
	v5 =	vmov v33  }
0x9b: {  	v26 =	vor.u32 $0xA, v28;
	v12 =	vmul.f32 v20, v20;
	v2 =	vmovc v25;
	v25 =	vld.idx.msk [tilespmem:v54+s15+$0x0], $0xffff;
	v7 =	vmul.f32 v6, v58  }
0x9c: {  	v15 =	vmov v24;
	v24 =	vor.u32 $0xB, v28;
	v1 =	vmov v40;
	v6 =	vld [tilespmem:$0x1FF80]  }
0x9d: {  	v40 =	vmul.f32 v22, v22;
	[tilespmem:$0x1FF50] =	vst v5;
	v4 =	vadd.f32 v12, v4;
	v5 =	vmovc v38;
	v38 =	vsub.f32 $1.500000000e+00, v7;
	v7 =	vld [tilespmem:$0x1FF70]  }
0x9e: {  	v0 =	vmov v32;
	v32 =	vld.idx.msk [tilespmem:v23+s15+$0x0], $0xffff  }
0x9f: {  	v29 =	vor.u32 $0xC, v28;
	v10 =	vmovc v48;
	v48 =	vld [tilespmem:$0x1FFA0];
	v27 =	vmovc v44;
	v44 =	vmul.f32 v30, v30;
	v4 =	vadd.f32 v40, v4  }
0xa0: {  	v8 =	vmovc v43;
	v9 =	vmovc v46;
	v31 =	vmov v42;
	v3 =	vmov v35;
	v35 =	vld.idx.msk [tilespmem:v26+s15+$0x0], $0xffff;
	v46 =	vmul.f32 v38, v58  }
0xa1: {  	v36 =	vmovc v41;
	[tilespmem:$0x1FF90] =	vst v10;
	v33 =	vor.u32 $0xD, v28;
	v4 =	vadd.f32 v44, v4;
	v44 =	vld [tilespmem:$0x1FFF0];
	v42 =	vmul.f32 v25, v25  }
0xa2: {  	v43 =	vmov s28;
	v40 =	vld.idx.msk [tilespmem:v24+s15+$0x0], $0xffff;
	[tilespmem:$0x1FF60] =	vst v5;
	v5 =	vmovc v6;
	v6 =	vmovc v7;
	v7 =	vmov v45;
	v45 =	vmul.f32 v46, v60  }
0xa3: {  	v11 =	vld [tilespmem:$0x1FFC0];
	v16 =	vmovc v37;
	v37 =	vor.u32 $0xF, v28;
	[tilespmem:$0x1FF80] =	vst v8;
	v58 =	vmul.f32 v32, v32;
	v4 =	vadd.f32 v42, v4  }
0xa4: {  	v41 =	vld.idx.msk [tilespmem:v29+s15+$0x0], $0xffff;
	v12 =	vshll.u32 v43, $0x4;
	v8 =	vmovc v48;
	[tilespmem:$0x1FF70] =	vst v9;
	v38 =	vor.u32 $0xE, v28;
	v45 =	vmul.f32 v45, v46  }
0xa5: {  	v60 =	vmovc v21;
	v21 =	vmovc v51;
	v51 =	vmov v49;
	v4 =	vadd.f32 v58, v4;
	v58 =	vmul.f32 v35, v35  }
0xa6: {  	v42 =	vld.idx.msk [tilespmem:v33+s15+$0x0], $0xffff;
	v49 =	vmovc v13;
	v13 =	vmovc v47;
	v47 =	vmov v50;
	v9 =	vor.u32 v44, v12;
	v48 =	vsub.f32 $1.500000000e+00, v45  }
0xa7: {  	[tilespmem:$0x1FFC0] =	vst v47;
	v47 =	vmul.f32 v40, v40;
	v12 =	vld [tilespmem:$0x1FFB0];
	v43 =	vor.u32 $0x2, v9;
	v4 =	vadd.f32 v58, v4  }
0xa8: {  	vm0 =	vgt.f32 v57, $1.000000000e+00;
	v57 =	vld [tilespmem:$0x1FFD0];
	v10 =	vmov v11;
	[tilespmem:$0x1FFA0] =	vst v51;
	v48 =	vmul.f32 v48, v46  }
0xa9: {  	v44 =	vld.idx.msk [tilespmem:v38+s15+$0x0], $0xffff;
	v4 =	vadd.f32 v47, v4;
	v47 =	vmul.f32 v41, v41;
	v46 =	vor.u32 $0x1, v9;
	v58 =	vmovc v54  }
0xaa: {  	v50 =	vmovc v59;
	v59 =	vmovc v53;
	v51 =	vmov v52;
	v52 =	vmov v17;
	v45 =	vld.idx.msk [tilespmem:v37+s15+$0x0], $0xffff;
	[tilespmem:$0x1FFD0] =	vst v58;
	v58 =	vnsel vm0, $0x3F800000, v48  }
0xab: {  	[tilespmem:$0x1FFB0] =	vst v51;
	v54 =	vmovc v19;
	v19 =	vmov v56;
	v4 =	vadd.f32 v47, v4;
	v53 =	vmul.f32 v58, v18  }
0xac: {  	v11 =	vmovc v12;
	v47 =	vmul.f32 v42, v42;
	v48 =	vor.u32 $0x3, v9;
	v51 =	vld.idx.msk [tilespmem:v43+s15+$0x0], $0xffff;
	v56 =	vmul.f32 v58, v49  }
0xad: {  	v18 =	vmov v39;
	v39 =	vld.idx.msk [tilespmem:v9+s15+$0x0], $0xffff;
	v49 =	vor.u32 $0x4, v9;
	v60 =	vmul.f32 v58, v60;
	[tilespmem:v14+s15+$0x0] =	vst.idx.msk $0xffff, v53  }
0xae: {  	v4 =	vadd.f32 v47, v4;
	v47 =	vld.idx.msk [tilespmem:v46+s15+$0x0], $0xffff;
	[tilespmem:v6+s15+$0x0] =	vst.idx.msk $0xffff, v56;
	v6 =	vmul.f32 v58, v50  }
0xaf: {  	[tilespmem:v5+s15+$0x0] =	vst.idx.msk $0xffff, v60;
	v5 =	vmul.f32 v58, v52  }
0xb0: {  	v17 =	vmov v55;
	v12 =	vmov v57;
	[tilespmem:v7+s15+$0x0] =	vst.idx.msk $0xffff, v6;
	v6 =	vmul.f32 v58, v63  }
0xb1: {  	v55 =	vmul.f32 v44, v44;
	v53 =	vld.idx.msk [tilespmem:v48+s15+$0x0], $0xffff;
	[tilespmem:v8+s15+$0x0] =	vst.idx.msk $0xffff, v5;
	v5 =	vmul.f32 v58, v62  }
0xb2: {  	[tilespmem:v11+s15+$0x0] =	vst.idx.msk $0xffff, v6;
	v6 =	vmul.f32 v58, v61  }
0xb3: {  	v4 =	vadd.f32 v55, v4;
	v55 =	vld.idx.msk [tilespmem:v49+s15+$0x0], $0xffff;
	[tilespmem:v10+s15+$0x0] =	vst.idx.msk $0xffff, v5;
	v5 =	vmul.f32 v58, v2  }
0xb4: {  	[tilespmem:v54+s15+$0x0] =	vst.idx.msk $0xffff, v6  }
0xb5: {  	v57 =	vmul.f32 v45, v45;
	[tilespmem:v12+s15+$0x0] =	vst.idx.msk $0xffff, v5;
	v5 =	vld [tilespmem:$0x1FF20];
	_ =	sdelay $0x1  }
0xb6: {  	v57 =	vadd.f32 v57, v4  }
0xb7: {  	p1 =	sne.s32 s28, $0x7F0;
	v0 =	vmul.f32 v58, v0;
	v14 =	vmov v28;
	v28 =	vmov v9  }
.Ltmp5:
0xb8: {  	v50 =	vor.u32 $0x6, v9;
	v52 =	vor.u32 $0x5, v28;
	v63 =	vmax.f32 v57, $1.000000000e+00;
	(pc) =	sbr.rel @p1 .LBB2_7-.Ltmp5, $4  }
0xb9: {  	v7 =	vmul.f32 v39, v39;
	v56 =	vshrl.u32 v63, $0x1;
	v60 =	vmul.f32 $5.000000000e-01, v63  }
0xba: {  	v4 =	vmul.f32 v51, v51;
	v8 =	vmul.f32 v47, v47;
	v2 =	vsub.s32 $0x5F3759DF, v56  }
0xbb: {  	v61 =	vmul.f32 v58, v3;
	v54 =	vor.u32 $0x8, v28;
	v62 =	vmul.f32 v2, v60  }
0xbc: {  	s28 =	sadd.s32 $0x10, s28;
	v56 =	vor.u32 $0x7, v28;
	v3 =	vadd.f32 v8, v7;
	[tilespmem:v5+s15+$0x0] =	vst.idx.msk $0xffff, v0;
	v0 =	vmul.f32 v58, v1  }
0xbd: {  	_ =	sdelay $0x3  }
0xbe: {  	v5 =	vld.idx.msk [tilespmem:v52+s15+$0x0], $0xffff;
	_ =	sdelay $0x4  }
0xbf: {  	[tilespmem:$0x1FE80] =	vst v5  }
0xc0: {  	v6 =	vld.idx.msk [tilespmem:v50+s15+$0x0], $0xffff;
	_ =	sdelay $0x2  }
0xc1: {  	v1 =	vadd.f32 v4, v3;
	v4 =	vor.u32 $0x9, v28  }
0xc2: {  	[tilespmem:$0x1FEC0] =	vst v4  }
0xc3: {  	[tilespmem:$0x1FE90] =	vst v6  }
0xc4: {  	v8 =	vld.idx.msk [tilespmem:v56+s15+$0x0], $0xffff;
	_ =	sdelay $0x2  }
0xc5: {  	v11 =	vmul.f32 v53, v53;
	v63 =	vor.u32 $0xA, v28  }
0xc6: {  	[tilespmem:$0x1FED0] =	vst v63  }
0xc7: {  	v12 =	vmul.f32 v55, v55;
	v1 =	vadd.f32 v11, v1;
	[tilespmem:$0x1FEA0] =	vst v8  }
0xc8: {  	v7 =	vld.idx.msk [tilespmem:v54+s15+$0x0], $0xffff  }
0xc9: {  	v3 =	vadd.f32 v12, v1;
	v9 =	vmul.f32 v5, v5;
	_ =	sdelay $0x1  }
0xca: {  	v5 =	vadd.f32 v9, v3;
	v3 =	vor.u32 $0xB, v28  }
0xcb: {  	v12 =	vmul.f32 v6, v6;
	[tilespmem:$0x1FEE0] =	vst v3  }
0xcc: {  	[tilespmem:$0x1FEB0] =	vst v7  }
0xcd: {  	v5 =	vadd.f32 v12, v5;
	v11 =	vmul.f32 v8, v8;
	v10 =	vld.idx.msk [tilespmem:v4+s15+$0x0], $0xffff;
	v4 =	vor.u32 $0xC, v28  }
0xce: {  	[tilespmem:$0x1FEF0] =	vst v4  }
0xcf: {  	v1 =	vadd.f32 v11, v5;
	v5 =	vor.u32 $0xD, v28;
	v12 =	vld.idx.msk [tilespmem:v63+s15+$0x0], $0xffff  }
0xd0: {  	[tilespmem:$0x1FF00] =	vst v5;
	v63 =	vmul.f32 v7, v7  }
0xd1: {  	v6 =	vor.u32 $0xE, v28;
	v9 =	vld.idx.msk [tilespmem:v3+s15+$0x0], $0xffff  }
0xd2: {  	[tilespmem:$0x1FF10] =	vst v6;
	v7 =	vadd.f32 v63, v1;
	v63 =	vmul.f32 v10, v10  }
0xd3: {  	v8 =	vld.idx.msk [tilespmem:v4+s15+$0x0], $0xffff  }
0xd4: {  	v3 =	vadd.f32 v63, v7;
	v63 =	vmul.f32 v12, v12  }
0xd5: {  	v7 =	vld.idx.msk [tilespmem:v5+s15+$0x0], $0xffff  }
0xd6: {  	v1 =	vadd.f32 v63, v3;
	v3 =	vmul.f32 v2, v62;
	v62 =	vmul.f32 v9, v9;
	_ =	sdelay $0x1  }
0xd7: {  	v1 =	vadd.f32 v62, v1;
	v62 =	vmul.f32 v8, v8;
	_ =	sdelay $0x1  }
0xd8: {  	v63 =	vmul.f32 v7, v7;
	v1 =	vadd.f32 v62, v1;
	_ =	sdelay $0x1  }
0xd9: {  	v1 =	vadd.f32 v63, v1;
	v63 =	vld [tilespmem:$0x1FF30];
	_ =	sdelay $0x7  }
0xda: {  	[tilespmem:v63+s15+$0x0] =	vst.idx.msk $0xffff, v61  }
0xdb: {  	[tilespmem:v15+s15+$0x0] =	vst.idx.msk $0xffff, v0  }
0xdc: {  	v15 =	vld [tilespmem:$0x1FF40];
	_ =	sdelay $0x1  }
0xdd: {  	v3 =	vsub.f32 $1.500000000e+00, v3;
	_ =	sdelay $0x1  }
0xde: {  	v2 =	vmul.f32 v2, v3;
	_ =	sdelay $0x1  }
0xdf: {  	v36 =	vmul.f32 v58, v36;
	v3 =	vmul.f32 v2, v60;
	_ =	sdelay $0x1  }
0xe0: {  	v3 =	vmul.f32 v3, v2;
	[tilespmem:v15+s15+$0x0] =	vst.idx.msk $0xffff, v36  }
0xe1: {  	v15 =	vld [tilespmem:$0x1FF50]  }
0xe2: {  	v3 =	vsub.f32 $1.500000000e+00, v3;
	_ =	sdelay $0x1  }
0xe3: {  	v2 =	vmul.f32 v3, v2;
	_ =	sdelay $0x1  }
0xe4: {  	v60 =	vmul.f32 v2, v60  }
0xe5: {  	v31 =	vmul.f32 v58, v31  }
0xe6: {  	v60 =	vmul.f32 v60, v2  }
0xe7: {  	[tilespmem:v15+s15+$0x0] =	vst.idx.msk $0xffff, v31  }
0xe8: {  	v60 =	vsub.f32 $1.500000000e+00, v60;
	v15 =	vld [tilespmem:$0x1FF60];
	_ =	sdelay $0x1  }
0xe9: {  	v2 =	vmul.f32 v60, v2  }
0xea: {  	vm0 =	vgt.f32 v57, $1.000000000e+00  }
0xeb: {  	v27 =	vmul.f32 v58, v27;
	v2 =	vnsel vm0, $0x3F800000, v2  }
0xec: {  	v36 =	vmul.f32 v58, v34;
	v58 =	vmul.f32 v2, v18;
	_ =	sdelay $0x1  }
0xed: {  	[tilespmem:v14+s15+$0x0] =	vst.idx.msk $0xffff, v58  }
0xee: {  	[tilespmem:v15+s15+$0x0] =	vst.idx.msk $0xffff, v27  }
0xef: {  	[tilespmem:v16+s15+$0x0] =	vst.idx.msk $0xffff, v36  }
0xf0: {  	v16 =	vld [tilespmem:$0x1FF70]  }
0xf1: {  	v11 =	vor.u32 $0xF, v28;
	_ =	sdelay $0x2  }
0xf2: {  	v6 =	vld.idx.msk [tilespmem:v6+s15+$0x0], $0xffff;
	_ =	sdelay $0x1  }
0xf3: {  	v5 =	vld.idx.msk [tilespmem:v11+s15+$0x0], $0xffff;
	v60 =	vmul.f32 v2, v13;
	_ =	sdelay $0x1  }
0xf4: {  	[tilespmem:v16+s15+$0x0] =	vst.idx.msk $0xffff, v60  }
0xf5: {  	v62 =	vmul.f32 v6, v6;
	v15 =	vld [tilespmem:$0x1FF80];
	_ =	sdelay $0x1  }
0xf6: {  	v1 =	vadd.f32 v62, v1;
	v62 =	vmul.f32 v5, v5;
	_ =	sdelay $0x1  }
0xf7: {  	v4 =	vadd.f32 v62, v1;
	_ =	sdelay $0x1  }
0xf8: {  	v3 =	vmax.f32 v4, $1.000000000e+00;
	v61 =	vmul.f32 v2, v21  }
0xf9: {  	v62 =	vshrl.u32 v3, $0x1;
	v3 =	vmul.f32 $5.000000000e-01, v3  }
0xfa: {  	v62 =	vsub.s32 $0x5F3759DF, v62;
	[tilespmem:v15+s15+$0x0] =	vst.idx.msk $0xffff, v61  }
0xfb: {  	v1 =	vmul.f32 v62, v3;
	v15 =	vld [tilespmem:$0x1FF90];
	_ =	sdelay $0x1  }
0xfc: {  	v1 =	vmul.f32 v62, v1;
	_ =	sdelay $0x1  }
0xfd: {  	v1 =	vsub.f32 $1.500000000e+00, v1;
	_ =	sdelay $0x1  }
0xfe: {  	v0 =	vmul.f32 v62, v1;
	v62 =	vmul.f32 v2, v59;
	_ =	sdelay $0x1  }
0xff: {  	[tilespmem:v15+s15+$0x0] =	vst.idx.msk $0xffff, v62  }
0x100: {  	v15 =	vld [tilespmem:$0x1FFA0];
	_ =	sdelay $0x5  }
0x101: {  	v18 =	vmul.f32 v2, v17;
	_ =	sdelay $0x1  }
0x102: {  	[tilespmem:v15+s15+$0x0] =	vst.idx.msk $0xffff, v18  }
0x103: {  	v27 =	vld [tilespmem:$0x1FFB0];
	_ =	sdelay $0x3  }
0x104: {  	v57 =	vmul.f32 v0, v3;
	_ =	sdelay $0x1  }
0x105: {  	v21 =	vmul.f32 v2, v20;
	v31 =	vmul.f32 v57, v0;
	_ =	sdelay $0x1  }
0x106: {  	v63 =	vsub.f32 $1.500000000e+00, v31;
	[tilespmem:v27+s15+$0x0] =	vst.idx.msk $0xffff, v21  }
0x107: {  	v13 =	vld [tilespmem:$0x1FFC0]  }
0x108: {  	v0 =	vmul.f32 v63, v0;
	_ =	sdelay $0x1  }
0x109: {  	v3 =	vmul.f32 v0, v3;
	_ =	sdelay $0x1  }
0x10a: {  	v3 =	vmul.f32 v3, v0  }
0x10b: {  	v22 =	vmul.f32 v2, v22  }
0x10c: {  	v30 =	vmul.f32 v2, v30;
	v3 =	vsub.f32 $1.500000000e+00, v3  }
0x10d: {  	[tilespmem:v13+s15+$0x0] =	vst.idx.msk $0xffff, v22  }
0x10e: {  	v0 =	vmul.f32 v3, v0;
	[tilespmem:v19+s15+$0x0] =	vst.idx.msk $0xffff, v30  }
0x10f: {  	vm15 =	vgt.f32 v4, $1.000000000e+00;
	v36 =	vmul.f32 v2, v40;
	v40 =	vmul.f32 v2, v41;
	v13 =	vld [tilespmem:$0x1FFD0]  }
0x110: {  	v41 =	vmul.f32 v2, v42;
	v42 =	vmul.f32 v2, v44;
	v0 =	vnsel vm15, $0x3F800000, v0  }
0x111: {  	v44 =	vmul.f32 v2, v45;
	v45 =	vmul.f32 v0, v39  }
0x112: {  	v47 =	vmul.f32 v0, v47  }
0x113: {  	v51 =	vmul.f32 v0, v51;
	[tilespmem:v28+s15+$0x0] =	vst.idx.msk $0xffff, v45  }
0x114: {  	v53 =	vmul.f32 v0, v53;
	[tilespmem:v46+s15+$0x0] =	vst.idx.msk $0xffff, v47  }
0x115: {  	v31 =	vmul.f32 v2, v25;
	[tilespmem:v43+s15+$0x0] =	vst.idx.msk $0xffff, v51  }
0x116: {  	v34 =	vmul.f32 v2, v32;
	[tilespmem:v48+s15+$0x0] =	vst.idx.msk $0xffff, v53  }
0x117: {  	v35 =	vmul.f32 v2, v35;
	[tilespmem:v13+s15+$0x0] =	vst.idx.msk $0xffff, v31  }
0x118: {  	[tilespmem:v23+s15+$0x0] =	vst.idx.msk $0xffff, v34  }
0x119: {  	[tilespmem:v26+s15+$0x0] =	vst.idx.msk $0xffff, v35  }
0x11a: {  	[tilespmem:v24+s15+$0x0] =	vst.idx.msk $0xffff, v36  }
0x11b: {  	[tilespmem:v29+s15+$0x0] =	vst.idx.msk $0xffff, v40  }
0x11c: {  	[tilespmem:v33+s15+$0x0] =	vst.idx.msk $0xffff, v41  }
0x11d: {  	v57 =	vmul.f32 v0, v55;
	[tilespmem:v38+s15+$0x0] =	vst.idx.msk $0xffff, v42  }
0x11e: {  	[tilespmem:v37+s15+$0x0] =	vst.idx.msk $0xffff, v44  }
0x11f: {  	v1 =	vld [tilespmem:$0x1FE80];
	[tilespmem:v49+s15+$0x0] =	vst.idx.msk $0xffff, v57  }
0x120: {  	v2 =	vld [tilespmem:$0x1FE90];
	_ =	sdelay $0x3  }
0x121: {  	v1 =	vmul.f32 v0, v1  }
0x122: {  	v2 =	vmul.f32 v0, v2  }
0x123: {  	[tilespmem:v52+s15+$0x0] =	vst.idx.msk $0xffff, v1  }
0x124: {  	v1 =	vld [tilespmem:$0x1FEA0];
	[tilespmem:v50+s15+$0x0] =	vst.idx.msk $0xffff, v2  }
0x125: {  	v2 =	vld [tilespmem:$0x1FEB0];
	_ =	sdelay $0x3  }
0x126: {  	v1 =	vmul.f32 v0, v1  }
0x127: {  	v2 =	vmul.f32 v0, v2  }
0x128: {  	[tilespmem:v56+s15+$0x0] =	vst.idx.msk $0xffff, v1  }
0x129: {  	[tilespmem:v54+s15+$0x0] =	vst.idx.msk $0xffff, v2  }
0x12a: {  	v3 =	vld [tilespmem:$0x1FEC0];
	_ =	sdelay $0x5  }
0x12b: {  	v58 =	vmul.f32 v0, v10;
	_ =	sdelay $0x1  }
0x12c: {  	[tilespmem:v3+s15+$0x0] =	vst.idx.msk $0xffff, v58  }
0x12d: {  	v3 =	vld [tilespmem:$0x1FED0];
	_ =	sdelay $0x5  }
0x12e: {  	v59 =	vmul.f32 v0, v12;
	_ =	sdelay $0x1  }
0x12f: {  	[tilespmem:v3+s15+$0x0] =	vst.idx.msk $0xffff, v59  }
0x130: {  	v3 =	vld [tilespmem:$0x1FEE0];
	_ =	sdelay $0x5  }
0x131: {  	v60 =	vmul.f32 v0, v9;
	_ =	sdelay $0x1  }
0x132: {  	[tilespmem:v3+s15+$0x0] =	vst.idx.msk $0xffff, v60  }
0x133: {  	v3 =	vld [tilespmem:$0x1FEF0];
	_ =	sdelay $0x5  }
0x134: {  	v61 =	vmul.f32 v0, v8;
	_ =	sdelay $0x1  }
0x135: {  	[tilespmem:v3+s15+$0x0] =	vst.idx.msk $0xffff, v61  }
0x136: {  	v3 =	vld [tilespmem:$0x1FF00];
	_ =	sdelay $0x5  }
0x137: {  	v62 =	vmul.f32 v0, v7;
	_ =	sdelay $0x1  }
0x138: {  	[tilespmem:v3+s15+$0x0] =	vst.idx.msk $0xffff, v62  }
0x139: {  	v1 =	vld [tilespmem:$0x1FF10];
	_ =	sdelay $0x5  }
0x13a: {  	s25 =	sshll.u32 s25, $0xF;
	v63 =	vmul.f32 v0, v6  }
0x13b: {  	s25 =	sadd.s32 s7, s25;
	v0 =	vmul.f32 v0, v5  }
0x13c: {  	s25 =	sshrl.u32 s25, $0x3;
	[tilespmem:v1+s15+$0x0] =	vst.idx.msk $0xffff, v63  }
0x13d: {  	s25 =	sadd.s32 s2, s25;
	[tilespmem:v11+s15+$0x0] =	vst.idx.msk $0xffff, v0  }
0x13e: {  	[hbm4b:s25+s3] =	stream.linear.scatter [tilespmem:s15], [sflag:$0x5], $0x8000, $0x38;
	v7 =	vld [tilespmem:$0x1FFF0]  }
.LBB2_9:
.Ltmp6:
0x13f: {  	(pc) =	sbr.rel @p0 .LBB2_12-.Ltmp6, $1  }
0x140: {  	_ =	sdelay $0x3  }
0x141: {  	p1 =	seq.s32 s24, $0x11  }
.Ltmp7:
0x142: {  	_ = 	snop;
	(pc) =	sbr.rel @p1 .LBB2_22-.Ltmp7, $1  }
0x143: {  	_ =	sdelay $0x3  }
0x144: {  	_ =	swait.ge [sflag:s21], $0x8000  }
0x145: {  	[sflag:s21] =	ssyncset.done $0x0  }
0x146: {  	[sflag:s21] =	ssyncadd.s32 $0xFFFF8000  }
.LBB2_12:
0x147: {  	s25 =	smul.u32 $0x1800, s24;
	_ =	sdelay $0x1  }
0x148: {  	s28 =	sadd.s32 s25, s8  }
0x149: {  	s26 =	sadd.s32 $0xFFFFFFFF, s26;
	s28 =	sshrl.u32 s28, $0x3  }
0x14a: {  	p1 =	sgt.u32 s26, $0x31;
	s28 =	sadd.s32 s5, s28  }
0x14b: {  	[tilespmem:s12], [sflag:$0x7] =	stream.linear.gather [hbm4b:s28+s3], $0x800, $0x38;
	[tilespmem:$0x19800] =	vst v63  }
.Ltmp8:
0x14c: {  	_ = 	snop;
	(pc) =	sbr.rel @p1 .LBB2_16-.Ltmp8, $4  }
0x14d: {  	_ =	swait.ge [sflag:s11], $0x800  }
0x14e: {  	[sflag:s11] =	ssyncset.done $0x0  }
0x14f: {  	[sflag:s11] =	ssyncadd.s32 $0xFFFFF800  }
0x150: {  	[tilespmem:s15], [sflag:$0x2] =	stream.indirect.gather [hbm4b:s6+s12], $0x10, s12, s12, $0xb8;
	[tilespmem:$0x19800] =	vst v63  }
0x151: {  	s28 =	simm.s32 $0x0  }
0x152: {  	v0 =	vmov s28  }
0x153: {  	v0 =	vshll.u32 v0, $0x4  }
0x154: {  	v43 =	vor.u32 v7, v0  }
0x155: {  	v39 =	vor.u32 $0x1, v43  }
0x156: {  	_ =	swait.ge [sflag:s16], $0x8000  }
0x157: {  	[sflag:s16] =	ssyncset.done $0x0;
	v47 =	vor.u32 $0x2, v43  }
0x158: {  	[sflag:s16] =	ssyncadd.s32 $0xFFFF8000  }
0x159: {  	v49 =	vor.u32 $0x3, v43;
	v45 =	vld.idx.msk [tilespmem:v43+s17+$0x0], $0xffff  }
0x15a: {  	v51 =	vld.idx.msk [tilespmem:v39+s17+$0x0], $0xffff  }
0x15b: {  	v50 =	vor.u32 $0x4, v43  }
0x15c: {  	v3 =	vld.idx.msk [tilespmem:v47+s17+$0x0], $0xffff  }
0x15d: {  	v55 =	vor.u32 $0x5, v43  }
0x15e: {  	v2 =	vld.idx.msk [tilespmem:v49+s17+$0x0], $0xffff  }
0x15f: {  	v53 =	vor.u32 $0x6, v43;
	v1 =	vmul.f32 v45, v45;
	v4 =	vmul.f32 v51, v51  }
0x160: {  	v48 =	vld.idx.msk [tilespmem:v50+s17+$0x0], $0xffff  }
0x161: {  	v52 =	vor.u32 $0x7, v43;
	v5 =	vmul.f32 v3, v3;
	v4 =	vadd.f32 v4, v1  }
0x162: {  	v8 =	vor.u32 $0x8, v43;
	v1 =	vld.idx.msk [tilespmem:v55+s17+$0x0], $0xffff  }
0x163: {  	v6 =	vmul.f32 v2, v2;
	[tilespmem:$0x1FE70] =	vst v8;
	v4 =	vadd.f32 v5, v4  }
0x164: {  	v60 =	vld.idx.msk [tilespmem:v53+s17+$0x0], $0xffff  }
0x165: {  	v54 =	vor.u32 $0x9, v43;
	v5 =	vmul.f32 v48, v48;
	v4 =	vadd.f32 v6, v4  }
0x166: {  	v61 =	vld.idx.msk [tilespmem:v52+s17+$0x0], $0xffff  }
0x167: {  	v0 =	vor.u32 $0xA, v43;
	v4 =	vadd.f32 v5, v4;
	v5 =	vmul.f32 v1, v1  }
0x168: {  	v62 =	vld.idx.msk [tilespmem:v8+s17+$0x0], $0xffff  }
0x169: {  	v37 =	vor.u32 $0xB, v43;
	v4 =	vadd.f32 v5, v4;
	v5 =	vmul.f32 v60, v60  }
0x16a: {  	v63 =	vld.idx.msk [tilespmem:v54+s17+$0x0], $0xffff  }
0x16b: {  	[tilespmem:$0x1FDC0] =	vst v0;
	v6 =	vor.u32 $0xC, v43;
	v4 =	vadd.f32 v5, v4;
	v5 =	vmul.f32 v61, v61  }
0x16c: {  	v56 =	vld.idx.msk [tilespmem:v0+s17+$0x0], $0xffff  }
0x16d: {  	v9 =	vor.u32 $0xD, v43;
	v4 =	vadd.f32 v5, v4;
	v5 =	vmul.f32 v62, v62  }
0x16e: {  	v10 =	vld.idx.msk [tilespmem:v37+s17+$0x0], $0xffff  }
0x16f: {  	v0 =	vor.u32 $0xE, v43;
	[tilespmem:$0x1FDD0] =	vst v6;
	v4 =	vadd.f32 v5, v4;
	v5 =	vmul.f32 v63, v63  }
0x170: {  	v36 =	vld.idx.msk [tilespmem:v6+s17+$0x0], $0xffff  }
0x171: {  	v6 =	vor.u32 $0xF, v43;
	[tilespmem:$0x1FDE0] =	vst v9;
	v4 =	vadd.f32 v5, v4;
	v5 =	vmul.f32 v56, v56  }
0x172: {  	v31 =	vld.idx.msk [tilespmem:v9+s17+$0x0], $0xffff  }
0x173: {  	[tilespmem:$0x1FDF0] =	vst v0;
	v4 =	vadd.f32 v5, v4;
	v5 =	vmul.f32 v10, v10  }
0x174: {  	v27 =	vld.idx.msk [tilespmem:v0+s17+$0x0], $0xffff  }
0x175: {  	s28 =	simm.s32 $0x10;
	v4 =	vadd.f32 v5, v4;
	v5 =	vmul.f32 v36, v36  }
0x176: {  	v38 =	vmov s28;
	v34 =	vld.idx.msk [tilespmem:v6+s17+$0x0], $0xffff  }
0x177: {  	v9 =	vshll.u32 v38, $0x4;
	v4 =	vadd.f32 v5, v4;
	v5 =	vmul.f32 v31, v31  }
0x178: {  	v14 =	vor.u32 v7, v9  }
0x179: {  	v0 =	vor.u32 $0x1, v14;
	v4 =	vadd.f32 v5, v4;
	v5 =	vmul.f32 v27, v27;
	_ =	sdelay $0x1  }
0x17a: {  	v16 =	vmovc v6;
	v6 =	vor.u32 $0x2, v14;
	v40 =	vmul.f32 v34, v34;
	v4 =	vadd.f32 v5, v4;
	_ =	sdelay $0x1  }
0x17b: {  	v11 =	vld.idx.msk [tilespmem:v14+s17+$0x0], $0xffff;
	[tilespmem:$0x1FE00] =	vst v0;
	v5 =	vor.u32 $0x3, v14;
	v4 =	vadd.f32 v40, v4  }
0x17c: {  	v17 =	vld.idx.msk [tilespmem:v0+s17+$0x0], $0xffff  }
0x17d: {  	v41 =	vor.u32 $0x4, v14;
	[tilespmem:$0x1FE10] =	vst v6;
	v9 =	vmax.f32 v4, $1.000000000e+00  }
0x17e: {  	v12 =	vld.idx.msk [tilespmem:v6+s17+$0x0], $0xffff;
	v0 =	vshrl.u32 v9, $0x1;
	v28 =	vmul.f32 $5.000000000e-01, v9  }
0x17f: {  	v6 =	vor.u32 $0x5, v14;
	[tilespmem:$0x1FE20] =	vst v5;
	v23 =	vsub.s32 $0x5F3759DF, v0  }
0x180: {  	v42 =	vld.idx.msk [tilespmem:v5+s17+$0x0], $0xffff;
	v0 =	vmul.f32 v23, v28  }
0x181: {  	v20 =	vmul.f32 v11, v11;
	v22 =	vmul.f32 v17, v17;
	v5 =	vor.u32 $0x6, v14;
	[tilespmem:$0x1FE30] =	vst v41  }
0x182: {  	v44 =	vld.idx.msk [tilespmem:v41+s17+$0x0], $0xffff;
	v0 =	vmul.f32 v23, v0  }
0x183: {  	v46 =	vor.u32 $0x7, v14;
	v24 =	vmul.f32 v12, v12;
	v22 =	vadd.f32 v22, v20;
	[tilespmem:$0x1FE40] =	vst v6  }
0x184: {  	v20 =	vld.idx.msk [tilespmem:v6+s17+$0x0], $0xffff;
	v25 =	vsub.f32 $1.500000000e+00, v0  }
0x185: {  	v24 =	vadd.f32 v24, v22;
	[tilespmem:$0x1FE50] =	vst v5;
	v26 =	vmul.f32 v42, v42;
	v0 =	vor.u32 $0x8, v14  }
0x186: {  	v22 =	vld.idx.msk [tilespmem:v5+s17+$0x0], $0xffff;
	v33 =	vmul.f32 v23, v25  }
0x187: {  	v24 =	vadd.f32 v26, v24;
	v23 =	vor.u32 $0x9, v14;
	v25 =	vmul.f32 v44, v44  }
0x188: {  	v30 =	vld.idx.msk [tilespmem:v46+s17+$0x0], $0xffff;
	v29 =	vmul.f32 v33, v28  }
0x189: {  	v26 =	vor.u32 $0xA, v14;
	v35 =	vmul.f32 v20, v20;
	[tilespmem:$0x1FE60] =	vst v0;
	v32 =	vadd.f32 v25, v24  }
0x18a: {  	v25 =	vld.idx.msk [tilespmem:v0+s17+$0x0], $0xffff;
	v29 =	vmul.f32 v29, v33  }
0x18b: {  	v15 =	vmovc v37;
	v24 =	vor.u32 $0xB, v14;
	v37 =	vmul.f32 v22, v22;
	v35 =	vadd.f32 v35, v32  }
0x18c: {  	v32 =	vld.idx.msk [tilespmem:v23+s17+$0x0], $0xffff;
	v38 =	vsub.f32 $1.500000000e+00, v29  }
0x18d: {  	v40 =	vmul.f32 v30, v30;
	v37 =	vadd.f32 v37, v35  }
0x18e: {  	v13 =	vmovc v17;
	v17 =	vmov v44;
	v29 =	vor.u32 $0xC, v14;
	v35 =	vld.idx.msk [tilespmem:v26+s17+$0x0], $0xffff;
	v44 =	vmul.f32 v38, v33  }
0x18f: {  	v37 =	vadd.f32 v40, v37;
	v9 =	vmul.f32 v25, v25  }
0x190: {  	v33 =	vor.u32 $0xD, v14;
	v40 =	vld.idx.msk [tilespmem:v24+s17+$0x0], $0xffff;
	v28 =	vmul.f32 v44, v28  }
0x191: {  	v37 =	vadd.f32 v9, v37;
	v41 =	vmul.f32 v32, v32  }
0x192: {  	v38 =	vor.u32 $0xE, v14;
	v28 =	vmul.f32 v28, v44  }
0x193: {  	v19 =	vmovc v46;
	v59 =	vmov v42;
	v46 =	vmul.f32 v35, v35;
	v42 =	vadd.f32 v41, v37;
	v41 =	vld.idx.msk [tilespmem:v29+s17+$0x0], $0xffff  }
0x194: {  	v37 =	vor.u32 $0xF, v14;
	v28 =	vsub.f32 $1.500000000e+00, v28  }
0x195: {  	s28 =	simm.s32 $0x20;
	v57 =	vmul.f32 v40, v40;
	v46 =	vadd.f32 v46, v42;
	v42 =	vld.idx.msk [tilespmem:v33+s17+$0x0], $0xffff  }
0x196: {  	v58 =	vmul.f32 v28, v44;
	v28 =	vmov s28  }
0x197: {  	vm0 =	vgt.f32 v4, $1.000000000e+00;
	v46 =	vadd.f32 v57, v46;
	v44 =	vld.idx.msk [tilespmem:v38+s17+$0x0], $0xffff;
	v4 =	vshll.u32 v28, $0x4  }
0x198: {  	v28 =	vor.u32 v7, v4;
	v58 =	vnsel vm0, $0x3F800000, v58;
	v4 =	vmul.f32 v41, v41  }
0x199: {  	v18 =	vmov v11;
	v11 =	vmul.f32 v58, v45;
	v45 =	vld.idx.msk [tilespmem:v37+s17+$0x0], $0xffff  }
0x19a: {  	v0 =	vmul.f32 v42, v42;
	v4 =	vadd.f32 v4, v46  }
0x19b: {  	v51 =	vmul.f32 v58, v51;
	v3 =	vmul.f32 v58, v3  }
0x19c: {  	[tilespmem:v43+s17+$0x0] =	vst.idx.msk $0xffff, v11;
	v0 =	vadd.f32 v0, v4;
	v4 =	vmul.f32 v44, v44  }
0x19d: {  	v2 =	vmul.f32 v58, v2;
	[tilespmem:v39+s17+$0x0] =	vst.idx.msk $0xffff, v51  }
0x19e: {  	[tilespmem:v47+s17+$0x0] =	vst.idx.msk $0xffff, v3;
	v0 =	vadd.f32 v4, v0;
	v3 =	vmul.f32 v45, v45  }
0x19f: {  	[tilespmem:v49+s17+$0x0] =	vst.idx.msk $0xffff, v2;
	v2 =	vmul.f32 v58, v48  }
0x1a0: {  	v57 =	vadd.f32 v3, v0;
	v0 =	vmul.f32 v58, v1  }
0x1a1: {  	v46 =	vor.u32 $0x1, v28;
	[tilespmem:v50+s17+$0x0] =	vst.idx.msk $0xffff, v2;
	v1 =	vmul.f32 v58, v60  }
0x1a2: {  	v3 =	vmul.f32 v58, v61;
	[tilespmem:v55+s17+$0x0] =	vst.idx.msk $0xffff, v0  }
0x1a3: {  	[tilespmem:v53+s17+$0x0] =	vst.idx.msk $0xffff, v1  }
0x1a4: {  	v43 =	vor.u32 $0x2, v28;
	v39 =	vld.idx.msk [tilespmem:v28+s17+$0x0], $0xffff;
	[tilespmem:v52+s17+$0x0] =	vst.idx.msk $0xffff, v3  }
0x1a5: {  	v4 =	vld [tilespmem:$0x1FE70]  }
0x1a6: {  	v48 =	vor.u32 $0x3, v28;
	v47 =	vld.idx.msk [tilespmem:v46+s17+$0x0], $0xffff  }
0x1a7: {  	v49 =	vor.u32 $0x4, v28;
	_ =	sdelay $0x1  }
0x1a8: {  	v63 =	vmul.f32 v58, v63;
	v51 =	vld.idx.msk [tilespmem:v43+s17+$0x0], $0xffff;
	v2 =	vmax.f32 v57, $1.000000000e+00  }
0x1a9: {  	v50 =	vor.u32 $0x6, v28;
	v0 =	vmul.f32 v39, v39;
	v60 =	vmul.f32 $5.000000000e-01, v2  }
0x1aa: {  	v1 =	vmul.f32 v58, v62;
	v2 =	vshrl.u32 v2, $0x1;
	v53 =	vld.idx.msk [tilespmem:v48+s17+$0x0], $0xffff;
	v3 =	vmul.f32 v47, v47  }
0x1ab: {  	v21 =	vmovc v12;
	v61 =	vmul.f32 v58, v56;
	v56 =	vor.u32 $0x7, v28;
	v55 =	vld.idx.msk [tilespmem:v49+s17+$0x0], $0xffff;
	v2 =	vsub.s32 $0x5F3759DF, v2  }
0x1ac: {  	v52 =	vor.u32 $0x5, v28;
	v62 =	vmul.f32 v2, v60;
	v3 =	vadd.f32 v3, v0;
	[tilespmem:v4+s17+$0x0] =	vst.idx.msk $0xffff, v1  }
0x1ad: {  	s28 =	simm.s32 $0x30;
	v0 =	vmul.f32 v58, v10;
	v4 =	vmul.f32 v51, v51;
	[tilespmem:v54+s17+$0x0] =	vst.idx.msk $0xffff, v63;
	v54 =	vor.u32 $0x8, v28  }
.LBB2_14:
0x1ae: {  	v5 =	vld [tilespmem:$0x1FDC0];
	_ =	sdelay $0x7  }
0x1af: {  	v3 =	vadd.f32 v4, v3;
	v4 =	vld [tilespmem:$0x1FDD0];
	[tilespmem:v5+s17+$0x0] =	vst.idx.msk $0xffff, v61;
	v5 =	vmov v26  }
0x1b0: {  	[tilespmem:$0x1FDC0] =	vst v5;
	v5 =	vld [tilespmem:$0x1FDE0];
	_ =	sdelay $0x3  }
0x1b1: {  	v1 =	vmul.f32 v2, v62  }
0x1b2: {  	v36 =	vmul.f32 v58, v36;
	v63 =	vmov v20;
	v20 =	vld.idx.msk [tilespmem:v52+s17+$0x0], $0xffff  }
0x1b3: {  	v62 =	vmov v22;
	v1 =	vsub.f32 $1.500000000e+00, v1;
	v22 =	vld.idx.msk [tilespmem:v50+s17+$0x0], $0xffff;
	[tilespmem:v15+s17+$0x0] =	vst.idx.msk $0xffff, v0;
	v0 =	vmul.f32 v58, v31  }
0x1b4: {  	[tilespmem:v4+s17+$0x0] =	vst.idx.msk $0xffff, v36;
	v4 =	vmul.f32 v58, v27  }
0x1b5: {  	[tilespmem:v5+s17+$0x0] =	vst.idx.msk $0xffff, v0;
	v5 =	vmul.f32 v58, v34;
	v58 =	vmul.f32 v2, v1;
	v1 =	vld [tilespmem:$0x1FDF0];
	_ =	sdelay $0x3  }
0x1b6: {  	v26 =	vmul.f32 v53, v53  }
0x1b7: {  	v6 =	vmov v23  }
0x1b8: {  	v7 =	vmov v29;
	[tilespmem:$0x1FDB0] =	vst v6;
	v27 =	vmul.f32 v55, v55;
	v6 =	vadd.f32 v26, v3  }
0x1b9: {  	v23 =	vor.u32 $0x9, v28;
	[tilespmem:$0x1FDD0] =	vst v7;
	v61 =	vmov v30  }
0x1ba: {  	v30 =	vld.idx.msk [tilespmem:v56+s17+$0x0], $0xffff;
	[tilespmem:v1+s17+$0x0] =	vst.idx.msk $0xffff, v4;
	v4 =	vadd.f32 v27, v6;
	v6 =	vmul.f32 v58, v60  }
0x1bb: {  	v34 =	vmov v45;
	v45 =	vld [tilespmem:$0x1FE20];
	[tilespmem:v16+s17+$0x0] =	vst.idx.msk $0xffff, v5;
	v5 =	vmov v33  }
0x1bc: {  	v26 =	vor.u32 $0xA, v28;
	v12 =	vmul.f32 v20, v20;
	v2 =	vmovc v25;
	v25 =	vld.idx.msk [tilespmem:v54+s17+$0x0], $0xffff;
	v7 =	vmul.f32 v6, v58  }
0x1bd: {  	v15 =	vmov v24;
	v24 =	vor.u32 $0xB, v28;
	v1 =	vmov v40;
	v6 =	vld [tilespmem:$0x1FE10]  }
0x1be: {  	v40 =	vmul.f32 v22, v22;
	[tilespmem:$0x1FDE0] =	vst v5;
	v4 =	vadd.f32 v12, v4;
	v5 =	vmovc v38;
	v38 =	vsub.f32 $1.500000000e+00, v7;
	v7 =	vld [tilespmem:$0x1FE00]  }
0x1bf: {  	v0 =	vmov v32;
	v32 =	vld.idx.msk [tilespmem:v23+s17+$0x0], $0xffff  }
0x1c0: {  	v29 =	vor.u32 $0xC, v28;
	v10 =	vmovc v48;
	v48 =	vld [tilespmem:$0x1FE30];
	v27 =	vmovc v44;
	v44 =	vmul.f32 v30, v30;
	v4 =	vadd.f32 v40, v4  }
0x1c1: {  	v8 =	vmovc v43;
	v9 =	vmovc v46;
	v31 =	vmov v42;
	v3 =	vmov v35;
	v35 =	vld.idx.msk [tilespmem:v26+s17+$0x0], $0xffff;
	v46 =	vmul.f32 v38, v58  }
0x1c2: {  	v36 =	vmovc v41;
	[tilespmem:$0x1FE20] =	vst v10;
	v33 =	vor.u32 $0xD, v28;
	v4 =	vadd.f32 v44, v4;
	v44 =	vld [tilespmem:$0x1FFF0];
	v42 =	vmul.f32 v25, v25  }
0x1c3: {  	v43 =	vmov s28;
	v40 =	vld.idx.msk [tilespmem:v24+s17+$0x0], $0xffff;
	[tilespmem:$0x1FDF0] =	vst v5;
	v5 =	vmovc v6;
	v6 =	vmovc v7;
	v7 =	vmov v45;
	v45 =	vmul.f32 v46, v60  }
0x1c4: {  	v11 =	vld [tilespmem:$0x1FE50];
	v16 =	vmovc v37;
	v37 =	vor.u32 $0xF, v28;
	[tilespmem:$0x1FE10] =	vst v8;
	v58 =	vmul.f32 v32, v32;
	v4 =	vadd.f32 v42, v4  }
0x1c5: {  	v41 =	vld.idx.msk [tilespmem:v29+s17+$0x0], $0xffff;
	v12 =	vshll.u32 v43, $0x4;
	v8 =	vmovc v48;
	[tilespmem:$0x1FE00] =	vst v9;
	v38 =	vor.u32 $0xE, v28;
	v45 =	vmul.f32 v45, v46  }
0x1c6: {  	v60 =	vmovc v21;
	v21 =	vmovc v51;
	v51 =	vmov v49;
	v4 =	vadd.f32 v58, v4;
	v58 =	vmul.f32 v35, v35  }
0x1c7: {  	v42 =	vld.idx.msk [tilespmem:v33+s17+$0x0], $0xffff;
	v49 =	vmovc v13;
	v13 =	vmovc v47;
	v47 =	vmov v50;
	v9 =	vor.u32 v44, v12;
	v48 =	vsub.f32 $1.500000000e+00, v45  }
0x1c8: {  	[tilespmem:$0x1FE50] =	vst v47;
	v47 =	vmul.f32 v40, v40;
	v12 =	vld [tilespmem:$0x1FE40];
	v43 =	vor.u32 $0x2, v9;
	v4 =	vadd.f32 v58, v4  }
0x1c9: {  	vm0 =	vgt.f32 v57, $1.000000000e+00;
	v57 =	vld [tilespmem:$0x1FE60];
	v10 =	vmov v11;
	[tilespmem:$0x1FE30] =	vst v51;
	v48 =	vmul.f32 v48, v46  }
0x1ca: {  	v44 =	vld.idx.msk [tilespmem:v38+s17+$0x0], $0xffff;
	v4 =	vadd.f32 v47, v4;
	v47 =	vmul.f32 v41, v41;
	v46 =	vor.u32 $0x1, v9;
	v58 =	vmovc v54  }
0x1cb: {  	v50 =	vmovc v59;
	v59 =	vmovc v53;
	v51 =	vmov v52;
	v52 =	vmov v17;
	v45 =	vld.idx.msk [tilespmem:v37+s17+$0x0], $0xffff;
	[tilespmem:$0x1FE60] =	vst v58;
	v58 =	vnsel vm0, $0x3F800000, v48  }
0x1cc: {  	[tilespmem:$0x1FE40] =	vst v51;
	v54 =	vmovc v19;
	v19 =	vmov v56;
	v4 =	vadd.f32 v47, v4;
	v53 =	vmul.f32 v58, v18  }
0x1cd: {  	v11 =	vmovc v12;
	v47 =	vmul.f32 v42, v42;
	v48 =	vor.u32 $0x3, v9;
	v51 =	vld.idx.msk [tilespmem:v43+s17+$0x0], $0xffff;
	v56 =	vmul.f32 v58, v49  }
0x1ce: {  	v18 =	vmov v39;
	v39 =	vld.idx.msk [tilespmem:v9+s17+$0x0], $0xffff;
	v49 =	vor.u32 $0x4, v9;
	v60 =	vmul.f32 v58, v60;
	[tilespmem:v14+s17+$0x0] =	vst.idx.msk $0xffff, v53  }
0x1cf: {  	v4 =	vadd.f32 v47, v4;
	v47 =	vld.idx.msk [tilespmem:v46+s17+$0x0], $0xffff;
	[tilespmem:v6+s17+$0x0] =	vst.idx.msk $0xffff, v56;
	v6 =	vmul.f32 v58, v50  }
0x1d0: {  	[tilespmem:v5+s17+$0x0] =	vst.idx.msk $0xffff, v60;
	v5 =	vmul.f32 v58, v52  }
0x1d1: {  	v17 =	vmov v55;
	v12 =	vmov v57;
	[tilespmem:v7+s17+$0x0] =	vst.idx.msk $0xffff, v6;
	v6 =	vmul.f32 v58, v63  }
0x1d2: {  	v55 =	vmul.f32 v44, v44;
	v53 =	vld.idx.msk [tilespmem:v48+s17+$0x0], $0xffff;
	[tilespmem:v8+s17+$0x0] =	vst.idx.msk $0xffff, v5;
	v5 =	vmul.f32 v58, v62  }
0x1d3: {  	[tilespmem:v11+s17+$0x0] =	vst.idx.msk $0xffff, v6;
	v6 =	vmul.f32 v58, v61  }
0x1d4: {  	v4 =	vadd.f32 v55, v4;
	v55 =	vld.idx.msk [tilespmem:v49+s17+$0x0], $0xffff;
	[tilespmem:v10+s17+$0x0] =	vst.idx.msk $0xffff, v5;
	v5 =	vmul.f32 v58, v2  }
0x1d5: {  	[tilespmem:v54+s17+$0x0] =	vst.idx.msk $0xffff, v6  }
0x1d6: {  	v57 =	vmul.f32 v45, v45;
	[tilespmem:v12+s17+$0x0] =	vst.idx.msk $0xffff, v5;
	v5 =	vld [tilespmem:$0x1FDB0];
	_ =	sdelay $0x1  }
0x1d7: {  	v57 =	vadd.f32 v57, v4  }
0x1d8: {  	p1 =	sne.s32 s28, $0x7F0;
	v0 =	vmul.f32 v58, v0;
	v14 =	vmov v28;
	v28 =	vmov v9  }
.Ltmp9:
0x1d9: {  	v50 =	vor.u32 $0x6, v9;
	v52 =	vor.u32 $0x5, v28;
	v63 =	vmax.f32 v57, $1.000000000e+00;
	(pc) =	sbr.rel @p1 .LBB2_14-.Ltmp9, $4  }
0x1da: {  	v7 =	vmul.f32 v39, v39;
	v56 =	vshrl.u32 v63, $0x1;
	v60 =	vmul.f32 $5.000000000e-01, v63  }
0x1db: {  	v4 =	vmul.f32 v51, v51;
	v8 =	vmul.f32 v47, v47;
	v2 =	vsub.s32 $0x5F3759DF, v56  }
0x1dc: {  	v61 =	vmul.f32 v58, v3;
	v54 =	vor.u32 $0x8, v28;
	v62 =	vmul.f32 v2, v60  }
0x1dd: {  	s28 =	sadd.s32 $0x10, s28;
	v56 =	vor.u32 $0x7, v28;
	v3 =	vadd.f32 v8, v7;
	[tilespmem:v5+s17+$0x0] =	vst.idx.msk $0xffff, v0;
	v0 =	vmul.f32 v58, v1  }
0x1de: {  	_ =	sdelay $0x3  }
0x1df: {  	v5 =	vld.idx.msk [tilespmem:v52+s17+$0x0], $0xffff;
	_ =	sdelay $0x4  }
0x1e0: {  	[tilespmem:$0x1FD10] =	vst v5  }
0x1e1: {  	v6 =	vld.idx.msk [tilespmem:v50+s17+$0x0], $0xffff;
	_ =	sdelay $0x2  }
0x1e2: {  	v1 =	vadd.f32 v4, v3;
	v4 =	vor.u32 $0x9, v28  }
0x1e3: {  	[tilespmem:$0x1FD50] =	vst v4  }
0x1e4: {  	[tilespmem:$0x1FD20] =	vst v6  }
0x1e5: {  	v8 =	vld.idx.msk [tilespmem:v56+s17+$0x0], $0xffff;
	_ =	sdelay $0x2  }
0x1e6: {  	v11 =	vmul.f32 v53, v53;
	v63 =	vor.u32 $0xA, v28  }
0x1e7: {  	[tilespmem:$0x1FD60] =	vst v63  }
0x1e8: {  	v12 =	vmul.f32 v55, v55;
	v1 =	vadd.f32 v11, v1;
	[tilespmem:$0x1FD30] =	vst v8  }
0x1e9: {  	v7 =	vld.idx.msk [tilespmem:v54+s17+$0x0], $0xffff  }
0x1ea: {  	v3 =	vadd.f32 v12, v1;
	v9 =	vmul.f32 v5, v5;
	_ =	sdelay $0x1  }
0x1eb: {  	v5 =	vadd.f32 v9, v3;
	v3 =	vor.u32 $0xB, v28  }
0x1ec: {  	v12 =	vmul.f32 v6, v6;
	[tilespmem:$0x1FD70] =	vst v3  }
0x1ed: {  	[tilespmem:$0x1FD40] =	vst v7  }
0x1ee: {  	v5 =	vadd.f32 v12, v5;
	v11 =	vmul.f32 v8, v8;
	v10 =	vld.idx.msk [tilespmem:v4+s17+$0x0], $0xffff;
	v4 =	vor.u32 $0xC, v28  }
0x1ef: {  	[tilespmem:$0x1FD80] =	vst v4  }
0x1f0: {  	v1 =	vadd.f32 v11, v5;
	v5 =	vor.u32 $0xD, v28;
	v12 =	vld.idx.msk [tilespmem:v63+s17+$0x0], $0xffff  }
0x1f1: {  	[tilespmem:$0x1FD90] =	vst v5;
	v63 =	vmul.f32 v7, v7  }
0x1f2: {  	v6 =	vor.u32 $0xE, v28;
	v9 =	vld.idx.msk [tilespmem:v3+s17+$0x0], $0xffff  }
0x1f3: {  	[tilespmem:$0x1FDA0] =	vst v6;
	v7 =	vadd.f32 v63, v1;
	v63 =	vmul.f32 v10, v10  }
0x1f4: {  	v8 =	vld.idx.msk [tilespmem:v4+s17+$0x0], $0xffff  }
0x1f5: {  	v3 =	vadd.f32 v63, v7;
	v63 =	vmul.f32 v12, v12  }
0x1f6: {  	v7 =	vld.idx.msk [tilespmem:v5+s17+$0x0], $0xffff  }
0x1f7: {  	v1 =	vadd.f32 v63, v3;
	v3 =	vmul.f32 v2, v62;
	v62 =	vmul.f32 v9, v9;
	_ =	sdelay $0x1  }
0x1f8: {  	v1 =	vadd.f32 v62, v1;
	v62 =	vmul.f32 v8, v8;
	_ =	sdelay $0x1  }
0x1f9: {  	v63 =	vmul.f32 v7, v7;
	v1 =	vadd.f32 v62, v1;
	_ =	sdelay $0x1  }
0x1fa: {  	v1 =	vadd.f32 v63, v1;
	v63 =	vld [tilespmem:$0x1FDC0];
	_ =	sdelay $0x7  }
0x1fb: {  	[tilespmem:v63+s17+$0x0] =	vst.idx.msk $0xffff, v61  }
0x1fc: {  	[tilespmem:v15+s17+$0x0] =	vst.idx.msk $0xffff, v0  }
0x1fd: {  	v15 =	vld [tilespmem:$0x1FDD0];
	_ =	sdelay $0x1  }
0x1fe: {  	v3 =	vsub.f32 $1.500000000e+00, v3;
	_ =	sdelay $0x1  }
0x1ff: {  	v2 =	vmul.f32 v2, v3;
	_ =	sdelay $0x1  }
0x200: {  	v36 =	vmul.f32 v58, v36;
	v3 =	vmul.f32 v2, v60;
	_ =	sdelay $0x1  }
0x201: {  	v3 =	vmul.f32 v3, v2;
	[tilespmem:v15+s17+$0x0] =	vst.idx.msk $0xffff, v36  }
0x202: {  	v15 =	vld [tilespmem:$0x1FDE0]  }
0x203: {  	v3 =	vsub.f32 $1.500000000e+00, v3;
	_ =	sdelay $0x1  }
0x204: {  	v2 =	vmul.f32 v3, v2;
	_ =	sdelay $0x1  }
0x205: {  	v60 =	vmul.f32 v2, v60  }
0x206: {  	v31 =	vmul.f32 v58, v31  }
0x207: {  	v60 =	vmul.f32 v60, v2  }
0x208: {  	[tilespmem:v15+s17+$0x0] =	vst.idx.msk $0xffff, v31  }
0x209: {  	v60 =	vsub.f32 $1.500000000e+00, v60;
	v15 =	vld [tilespmem:$0x1FDF0];
	_ =	sdelay $0x1  }
0x20a: {  	v2 =	vmul.f32 v60, v2  }
0x20b: {  	vm0 =	vgt.f32 v57, $1.000000000e+00  }
0x20c: {  	v27 =	vmul.f32 v58, v27;
	v2 =	vnsel vm0, $0x3F800000, v2  }
0x20d: {  	v36 =	vmul.f32 v58, v34;
	v58 =	vmul.f32 v2, v18;
	_ =	sdelay $0x1  }
0x20e: {  	[tilespmem:v14+s17+$0x0] =	vst.idx.msk $0xffff, v58  }
0x20f: {  	[tilespmem:v15+s17+$0x0] =	vst.idx.msk $0xffff, v27  }
0x210: {  	[tilespmem:v16+s17+$0x0] =	vst.idx.msk $0xffff, v36  }
0x211: {  	v16 =	vld [tilespmem:$0x1FE00]  }
0x212: {  	v11 =	vor.u32 $0xF, v28;
	_ =	sdelay $0x2  }
0x213: {  	v6 =	vld.idx.msk [tilespmem:v6+s17+$0x0], $0xffff;
	_ =	sdelay $0x1  }
0x214: {  	v5 =	vld.idx.msk [tilespmem:v11+s17+$0x0], $0xffff;
	v60 =	vmul.f32 v2, v13;
	_ =	sdelay $0x1  }
0x215: {  	[tilespmem:v16+s17+$0x0] =	vst.idx.msk $0xffff, v60  }
0x216: {  	v62 =	vmul.f32 v6, v6;
	v15 =	vld [tilespmem:$0x1FE10];
	_ =	sdelay $0x1  }
0x217: {  	v1 =	vadd.f32 v62, v1;
	v62 =	vmul.f32 v5, v5;
	_ =	sdelay $0x1  }
0x218: {  	v4 =	vadd.f32 v62, v1;
	_ =	sdelay $0x1  }
0x219: {  	v3 =	vmax.f32 v4, $1.000000000e+00;
	v61 =	vmul.f32 v2, v21  }
0x21a: {  	v62 =	vshrl.u32 v3, $0x1;
	v3 =	vmul.f32 $5.000000000e-01, v3  }
0x21b: {  	v62 =	vsub.s32 $0x5F3759DF, v62;
	[tilespmem:v15+s17+$0x0] =	vst.idx.msk $0xffff, v61  }
0x21c: {  	v1 =	vmul.f32 v62, v3;
	v15 =	vld [tilespmem:$0x1FE20];
	_ =	sdelay $0x1  }
0x21d: {  	v1 =	vmul.f32 v62, v1;
	_ =	sdelay $0x1  }
0x21e: {  	v1 =	vsub.f32 $1.500000000e+00, v1;
	_ =	sdelay $0x1  }
0x21f: {  	v0 =	vmul.f32 v62, v1;
	v62 =	vmul.f32 v2, v59;
	_ =	sdelay $0x1  }
0x220: {  	[tilespmem:v15+s17+$0x0] =	vst.idx.msk $0xffff, v62  }
0x221: {  	v15 =	vld [tilespmem:$0x1FE30];
	_ =	sdelay $0x5  }
0x222: {  	v18 =	vmul.f32 v2, v17;
	_ =	sdelay $0x1  }
0x223: {  	[tilespmem:v15+s17+$0x0] =	vst.idx.msk $0xffff, v18  }
0x224: {  	v27 =	vld [tilespmem:$0x1FE40];
	_ =	sdelay $0x3  }
0x225: {  	v57 =	vmul.f32 v0, v3;
	_ =	sdelay $0x1  }
0x226: {  	v21 =	vmul.f32 v2, v20;
	v31 =	vmul.f32 v57, v0;
	_ =	sdelay $0x1  }
0x227: {  	v63 =	vsub.f32 $1.500000000e+00, v31;
	[tilespmem:v27+s17+$0x0] =	vst.idx.msk $0xffff, v21  }
0x228: {  	v13 =	vld [tilespmem:$0x1FE50]  }
0x229: {  	v0 =	vmul.f32 v63, v0;
	_ =	sdelay $0x1  }
0x22a: {  	v3 =	vmul.f32 v0, v3;
	_ =	sdelay $0x1  }
0x22b: {  	v3 =	vmul.f32 v3, v0  }
0x22c: {  	v22 =	vmul.f32 v2, v22  }
0x22d: {  	v30 =	vmul.f32 v2, v30;
	v3 =	vsub.f32 $1.500000000e+00, v3  }
0x22e: {  	[tilespmem:v13+s17+$0x0] =	vst.idx.msk $0xffff, v22  }
0x22f: {  	v0 =	vmul.f32 v3, v0;
	[tilespmem:v19+s17+$0x0] =	vst.idx.msk $0xffff, v30  }
0x230: {  	vm15 =	vgt.f32 v4, $1.000000000e+00;
	v36 =	vmul.f32 v2, v40;
	v40 =	vmul.f32 v2, v41;
	v13 =	vld [tilespmem:$0x1FE60]  }
0x231: {  	v41 =	vmul.f32 v2, v42;
	v42 =	vmul.f32 v2, v44;
	v0 =	vnsel vm15, $0x3F800000, v0  }
0x232: {  	v44 =	vmul.f32 v2, v45;
	v45 =	vmul.f32 v0, v39  }
0x233: {  	v47 =	vmul.f32 v0, v47  }
0x234: {  	v51 =	vmul.f32 v0, v51;
	[tilespmem:v28+s17+$0x0] =	vst.idx.msk $0xffff, v45  }
0x235: {  	v53 =	vmul.f32 v0, v53;
	[tilespmem:v46+s17+$0x0] =	vst.idx.msk $0xffff, v47  }
0x236: {  	v31 =	vmul.f32 v2, v25;
	[tilespmem:v43+s17+$0x0] =	vst.idx.msk $0xffff, v51  }
0x237: {  	v34 =	vmul.f32 v2, v32;
	[tilespmem:v48+s17+$0x0] =	vst.idx.msk $0xffff, v53  }
0x238: {  	v35 =	vmul.f32 v2, v35;
	[tilespmem:v13+s17+$0x0] =	vst.idx.msk $0xffff, v31  }
0x239: {  	[tilespmem:v23+s17+$0x0] =	vst.idx.msk $0xffff, v34  }
0x23a: {  	[tilespmem:v26+s17+$0x0] =	vst.idx.msk $0xffff, v35  }
0x23b: {  	[tilespmem:v24+s17+$0x0] =	vst.idx.msk $0xffff, v36  }
0x23c: {  	[tilespmem:v29+s17+$0x0] =	vst.idx.msk $0xffff, v40  }
0x23d: {  	[tilespmem:v33+s17+$0x0] =	vst.idx.msk $0xffff, v41  }
0x23e: {  	v57 =	vmul.f32 v0, v55;
	[tilespmem:v38+s17+$0x0] =	vst.idx.msk $0xffff, v42  }
0x23f: {  	[tilespmem:v37+s17+$0x0] =	vst.idx.msk $0xffff, v44  }
0x240: {  	v1 =	vld [tilespmem:$0x1FD10];
	[tilespmem:v49+s17+$0x0] =	vst.idx.msk $0xffff, v57  }
0x241: {  	v2 =	vld [tilespmem:$0x1FD20];
	_ =	sdelay $0x3  }
0x242: {  	v1 =	vmul.f32 v0, v1  }
0x243: {  	v2 =	vmul.f32 v0, v2  }
0x244: {  	[tilespmem:v52+s17+$0x0] =	vst.idx.msk $0xffff, v1  }
0x245: {  	v1 =	vld [tilespmem:$0x1FD30];
	[tilespmem:v50+s17+$0x0] =	vst.idx.msk $0xffff, v2  }
0x246: {  	v2 =	vld [tilespmem:$0x1FD40];
	_ =	sdelay $0x3  }
0x247: {  	v1 =	vmul.f32 v0, v1  }
0x248: {  	v2 =	vmul.f32 v0, v2  }
0x249: {  	[tilespmem:v56+s17+$0x0] =	vst.idx.msk $0xffff, v1  }
0x24a: {  	[tilespmem:v54+s17+$0x0] =	vst.idx.msk $0xffff, v2  }
0x24b: {  	v3 =	vld [tilespmem:$0x1FD50];
	_ =	sdelay $0x5  }
0x24c: {  	v58 =	vmul.f32 v0, v10;
	_ =	sdelay $0x1  }
0x24d: {  	[tilespmem:v3+s17+$0x0] =	vst.idx.msk $0xffff, v58  }
0x24e: {  	v3 =	vld [tilespmem:$0x1FD60];
	_ =	sdelay $0x5  }
0x24f: {  	v59 =	vmul.f32 v0, v12;
	_ =	sdelay $0x1  }
0x250: {  	[tilespmem:v3+s17+$0x0] =	vst.idx.msk $0xffff, v59  }
0x251: {  	v3 =	vld [tilespmem:$0x1FD70];
	_ =	sdelay $0x5  }
0x252: {  	v60 =	vmul.f32 v0, v9;
	_ =	sdelay $0x1  }
0x253: {  	[tilespmem:v3+s17+$0x0] =	vst.idx.msk $0xffff, v60  }
0x254: {  	v3 =	vld [tilespmem:$0x1FD80];
	_ =	sdelay $0x5  }
0x255: {  	v61 =	vmul.f32 v0, v8;
	_ =	sdelay $0x1  }
0x256: {  	[tilespmem:v3+s17+$0x0] =	vst.idx.msk $0xffff, v61  }
0x257: {  	v3 =	vld [tilespmem:$0x1FD90];
	_ =	sdelay $0x5  }
0x258: {  	v62 =	vmul.f32 v0, v7;
	_ =	sdelay $0x1  }
0x259: {  	[tilespmem:v3+s17+$0x0] =	vst.idx.msk $0xffff, v62  }
0x25a: {  	v1 =	vld [tilespmem:$0x1FDA0];
	_ =	sdelay $0x5  }
0x25b: {  	s26 =	sshll.u32 s26, $0xF;
	v63 =	vmul.f32 v0, v6  }
0x25c: {  	s26 =	sadd.s32 s7, s26;
	v0 =	vmul.f32 v0, v5  }
0x25d: {  	s26 =	sshrl.u32 s26, $0x3;
	[tilespmem:v1+s17+$0x0] =	vst.idx.msk $0xffff, v63  }
0x25e: {  	s26 =	sadd.s32 s2, s26;
	[tilespmem:v11+s17+$0x0] =	vst.idx.msk $0xffff, v0  }
0x25f: {  	[hbm4b:s26+s3] =	stream.linear.scatter [tilespmem:s17], [sflag:$0x6], $0x8000, $0x38;
	v7 =	vld [tilespmem:$0x1FFF0]  }
.LBB2_16:
0x260: {  	p1 =	sgt.u32 s24, $0xF  }
.Ltmp10:
0x261: {  	_ = 	snop;
	(pc) =	sbr.rel @p1 .LBB2_18-.Ltmp10, $1  }
0x262: {  	_ =	sdelay $0x3  }
0x263: {  	s26 =	simm.s32 @!p0 $0x6  }
0x264: {  	s28 =	sadd.s32 s25, s9;
	_ =	swait.ge @!p0 [sflag:s26], $0x8000  }
0x265: {  	s28 =	sshrl.u32 s28, $0x3;
	[sflag:s26] =	ssyncset.done @!p0 $0x0  }
0x266: {  	s31 =	sadd.s32 s5, s28;
	[sflag:s26] =	ssyncadd.s32 @!p0 $0xFFFF8000  }
0x267: {  	[tilespmem:s18], [sflag:$0x7] =	stream.linear.gather [hbm4b:s31+s3], $0x800, $0x38;
	[tilespmem:$0x19800] =	vst v63  }
.Ltmp11:
0x268: {  	_ = 	snop;
	(pc) =	sbr.rel .LBB2_19-.Ltmp11, $4  }
0x269: {  	_ =	swait.ge [sflag:s11], $0x800  }
0x26a: {  	[sflag:s11] =	ssyncset.done $0x0  }
0x26b: {  	[sflag:s11] =	ssyncadd.s32 $0xFFFFF800  }
0x26c: {  	[tilespmem:s17], [sflag:$0x3] =	stream.indirect.gather [hbm4b:s6+s12], $0x10, s18, s12, $0xb8;
	[tilespmem:$0x19800] =	vst v63  }
.LBB2_18:
0x26d: {  	p0 =	seq.s32 s24, $0x11  }
.Ltmp12:
0x26e: {  	_ = 	snop;
	(pc) =	sbr.rel @p0 .LBB2_22-.Ltmp12, $1  }
0x26f: {  	_ =	sdelay $0x3  }
.LBB2_19:
0x270: {  	s26 =	simm.s32 $0x0  }
0x271: {  	v0 =	vmov s26  }
0x272: {  	v0 =	vshll.u32 v0, $0x4  }
0x273: {  	v43 =	vor.u32 v7, v0  }
0x274: {  	v39 =	vor.u32 $0x1, v43  }
0x275: {  	_ =	swait.ge [sflag:s19], $0x8000  }
0x276: {  	[sflag:s19] =	ssyncset.done $0x0;
	v47 =	vor.u32 $0x2, v43  }
0x277: {  	[sflag:s19] =	ssyncadd.s32 $0xFFFF8000  }
0x278: {  	v49 =	vor.u32 $0x3, v43;
	v45 =	vld.idx.msk [tilespmem:v43+s13+$0x0], $0xffff  }
0x279: {  	v51 =	vld.idx.msk [tilespmem:v39+s13+$0x0], $0xffff  }
0x27a: {  	v50 =	vor.u32 $0x4, v43  }
0x27b: {  	v3 =	vld.idx.msk [tilespmem:v47+s13+$0x0], $0xffff  }
0x27c: {  	v55 =	vor.u32 $0x5, v43  }
0x27d: {  	v2 =	vld.idx.msk [tilespmem:v49+s13+$0x0], $0xffff  }
0x27e: {  	v53 =	vor.u32 $0x6, v43;
	v1 =	vmul.f32 v45, v45;
	v4 =	vmul.f32 v51, v51  }
0x27f: {  	v48 =	vld.idx.msk [tilespmem:v50+s13+$0x0], $0xffff  }
0x280: {  	v52 =	vor.u32 $0x7, v43;
	v5 =	vmul.f32 v3, v3;
	v4 =	vadd.f32 v4, v1  }
0x281: {  	v8 =	vor.u32 $0x8, v43;
	v1 =	vld.idx.msk [tilespmem:v55+s13+$0x0], $0xffff  }
0x282: {  	v6 =	vmul.f32 v2, v2;
	[tilespmem:$0x1FD00] =	vst v8;
	v4 =	vadd.f32 v5, v4  }
0x283: {  	v60 =	vld.idx.msk [tilespmem:v53+s13+$0x0], $0xffff  }
0x284: {  	v54 =	vor.u32 $0x9, v43;
	v5 =	vmul.f32 v48, v48;
	v4 =	vadd.f32 v6, v4  }
0x285: {  	v61 =	vld.idx.msk [tilespmem:v52+s13+$0x0], $0xffff  }
0x286: {  	v0 =	vor.u32 $0xA, v43;
	v4 =	vadd.f32 v5, v4;
	v5 =	vmul.f32 v1, v1  }
0x287: {  	v62 =	vld.idx.msk [tilespmem:v8+s13+$0x0], $0xffff  }
0x288: {  	v37 =	vor.u32 $0xB, v43;
	v4 =	vadd.f32 v5, v4;
	v5 =	vmul.f32 v60, v60  }
0x289: {  	v63 =	vld.idx.msk [tilespmem:v54+s13+$0x0], $0xffff  }
0x28a: {  	[tilespmem:$0x1FC50] =	vst v0;
	v6 =	vor.u32 $0xC, v43;
	v4 =	vadd.f32 v5, v4;
	v5 =	vmul.f32 v61, v61  }
0x28b: {  	v56 =	vld.idx.msk [tilespmem:v0+s13+$0x0], $0xffff  }
0x28c: {  	v9 =	vor.u32 $0xD, v43;
	v4 =	vadd.f32 v5, v4;
	v5 =	vmul.f32 v62, v62  }
0x28d: {  	v10 =	vld.idx.msk [tilespmem:v37+s13+$0x0], $0xffff  }
0x28e: {  	v0 =	vor.u32 $0xE, v43;
	[tilespmem:$0x1FC60] =	vst v6;
	v4 =	vadd.f32 v5, v4;
	v5 =	vmul.f32 v63, v63  }
0x28f: {  	v36 =	vld.idx.msk [tilespmem:v6+s13+$0x0], $0xffff  }
0x290: {  	v6 =	vor.u32 $0xF, v43;
	[tilespmem:$0x1FC70] =	vst v9;
	v4 =	vadd.f32 v5, v4;
	v5 =	vmul.f32 v56, v56  }
0x291: {  	v31 =	vld.idx.msk [tilespmem:v9+s13+$0x0], $0xffff  }
0x292: {  	[tilespmem:$0x1FC80] =	vst v0;
	v4 =	vadd.f32 v5, v4;
	v5 =	vmul.f32 v10, v10  }
0x293: {  	v27 =	vld.idx.msk [tilespmem:v0+s13+$0x0], $0xffff  }
0x294: {  	s30 =	simm.s32 $0x10;
	v4 =	vadd.f32 v5, v4;
	v5 =	vmul.f32 v36, v36  }
0x295: {  	v38 =	vmov s30;
	v34 =	vld.idx.msk [tilespmem:v6+s13+$0x0], $0xffff  }
0x296: {  	v9 =	vshll.u32 v38, $0x4;
	v4 =	vadd.f32 v5, v4;
	v5 =	vmul.f32 v31, v31  }
0x297: {  	v14 =	vor.u32 v7, v9  }
0x298: {  	v0 =	vor.u32 $0x1, v14;
	v4 =	vadd.f32 v5, v4;
	v5 =	vmul.f32 v27, v27;
	_ =	sdelay $0x1  }
0x299: {  	v16 =	vmovc v6;
	v6 =	vor.u32 $0x2, v14;
	v40 =	vmul.f32 v34, v34;
	v4 =	vadd.f32 v5, v4;
	_ =	sdelay $0x1  }
0x29a: {  	v11 =	vld.idx.msk [tilespmem:v14+s13+$0x0], $0xffff;
	[tilespmem:$0x1FC90] =	vst v0;
	v5 =	vor.u32 $0x3, v14;
	v4 =	vadd.f32 v40, v4  }
0x29b: {  	v17 =	vld.idx.msk [tilespmem:v0+s13+$0x0], $0xffff  }
0x29c: {  	v41 =	vor.u32 $0x4, v14;
	[tilespmem:$0x1FCA0] =	vst v6;
	v9 =	vmax.f32 v4, $1.000000000e+00  }
0x29d: {  	v12 =	vld.idx.msk [tilespmem:v6+s13+$0x0], $0xffff;
	v0 =	vshrl.u32 v9, $0x1;
	v28 =	vmul.f32 $5.000000000e-01, v9  }
0x29e: {  	v6 =	vor.u32 $0x5, v14;
	[tilespmem:$0x1FCB0] =	vst v5;
	v23 =	vsub.s32 $0x5F3759DF, v0  }
0x29f: {  	v42 =	vld.idx.msk [tilespmem:v5+s13+$0x0], $0xffff;
	v0 =	vmul.f32 v23, v28  }
0x2a0: {  	v20 =	vmul.f32 v11, v11;
	v22 =	vmul.f32 v17, v17;
	v5 =	vor.u32 $0x6, v14;
	[tilespmem:$0x1FCC0] =	vst v41  }
0x2a1: {  	v44 =	vld.idx.msk [tilespmem:v41+s13+$0x0], $0xffff;
	v0 =	vmul.f32 v23, v0  }
0x2a2: {  	v46 =	vor.u32 $0x7, v14;
	v24 =	vmul.f32 v12, v12;
	v22 =	vadd.f32 v22, v20;
	[tilespmem:$0x1FCD0] =	vst v6  }
0x2a3: {  	v20 =	vld.idx.msk [tilespmem:v6+s13+$0x0], $0xffff;
	v25 =	vsub.f32 $1.500000000e+00, v0  }
0x2a4: {  	v24 =	vadd.f32 v24, v22;
	[tilespmem:$0x1FCE0] =	vst v5;
	v26 =	vmul.f32 v42, v42;
	v0 =	vor.u32 $0x8, v14  }
0x2a5: {  	v22 =	vld.idx.msk [tilespmem:v5+s13+$0x0], $0xffff;
	v33 =	vmul.f32 v23, v25  }
0x2a6: {  	v24 =	vadd.f32 v26, v24;
	v23 =	vor.u32 $0x9, v14;
	v25 =	vmul.f32 v44, v44  }
0x2a7: {  	v30 =	vld.idx.msk [tilespmem:v46+s13+$0x0], $0xffff;
	v29 =	vmul.f32 v33, v28  }
0x2a8: {  	v26 =	vor.u32 $0xA, v14;
	v35 =	vmul.f32 v20, v20;
	[tilespmem:$0x1FCF0] =	vst v0;
	v32 =	vadd.f32 v25, v24  }
0x2a9: {  	v25 =	vld.idx.msk [tilespmem:v0+s13+$0x0], $0xffff;
	v29 =	vmul.f32 v29, v33  }
0x2aa: {  	v15 =	vmovc v37;
	v24 =	vor.u32 $0xB, v14;
	v37 =	vmul.f32 v22, v22;
	v35 =	vadd.f32 v35, v32  }
0x2ab: {  	v32 =	vld.idx.msk [tilespmem:v23+s13+$0x0], $0xffff;
	v38 =	vsub.f32 $1.500000000e+00, v29  }
0x2ac: {  	v40 =	vmul.f32 v30, v30;
	v37 =	vadd.f32 v37, v35  }
0x2ad: {  	v13 =	vmovc v17;
	v17 =	vmov v44;
	v29 =	vor.u32 $0xC, v14;
	v35 =	vld.idx.msk [tilespmem:v26+s13+$0x0], $0xffff;
	v44 =	vmul.f32 v38, v33  }
0x2ae: {  	v37 =	vadd.f32 v40, v37;
	v9 =	vmul.f32 v25, v25  }
0x2af: {  	v33 =	vor.u32 $0xD, v14;
	v40 =	vld.idx.msk [tilespmem:v24+s13+$0x0], $0xffff;
	v28 =	vmul.f32 v44, v28  }
0x2b0: {  	v37 =	vadd.f32 v9, v37;
	v41 =	vmul.f32 v32, v32  }
0x2b1: {  	v38 =	vor.u32 $0xE, v14;
	v28 =	vmul.f32 v28, v44  }
0x2b2: {  	v19 =	vmovc v46;
	v59 =	vmov v42;
	v46 =	vmul.f32 v35, v35;
	v42 =	vadd.f32 v41, v37;
	v41 =	vld.idx.msk [tilespmem:v29+s13+$0x0], $0xffff  }
0x2b3: {  	v37 =	vor.u32 $0xF, v14;
	v28 =	vsub.f32 $1.500000000e+00, v28  }
0x2b4: {  	s31 =	simm.s32 $0x20;
	v57 =	vmul.f32 v40, v40;
	v46 =	vadd.f32 v46, v42;
	v42 =	vld.idx.msk [tilespmem:v33+s13+$0x0], $0xffff  }
0x2b5: {  	v58 =	vmul.f32 v28, v44;
	v28 =	vmov s31  }
0x2b6: {  	vm0 =	vgt.f32 v4, $1.000000000e+00;
	v46 =	vadd.f32 v57, v46;
	v44 =	vld.idx.msk [tilespmem:v38+s13+$0x0], $0xffff;
	v4 =	vshll.u32 v28, $0x4  }
0x2b7: {  	v28 =	vor.u32 v7, v4;
	v58 =	vnsel vm0, $0x3F800000, v58;
	v4 =	vmul.f32 v41, v41  }
0x2b8: {  	v18 =	vmov v11;
	v11 =	vmul.f32 v58, v45;
	v45 =	vld.idx.msk [tilespmem:v37+s13+$0x0], $0xffff  }
0x2b9: {  	v0 =	vmul.f32 v42, v42;
	v4 =	vadd.f32 v4, v46  }
0x2ba: {  	v51 =	vmul.f32 v58, v51;
	v3 =	vmul.f32 v58, v3  }
0x2bb: {  	[tilespmem:v43+s13+$0x0] =	vst.idx.msk $0xffff, v11;
	v0 =	vadd.f32 v0, v4;
	v4 =	vmul.f32 v44, v44  }
0x2bc: {  	v2 =	vmul.f32 v58, v2;
	[tilespmem:v39+s13+$0x0] =	vst.idx.msk $0xffff, v51  }
0x2bd: {  	[tilespmem:v47+s13+$0x0] =	vst.idx.msk $0xffff, v3;
	v0 =	vadd.f32 v4, v0;
	v3 =	vmul.f32 v45, v45  }
0x2be: {  	[tilespmem:v49+s13+$0x0] =	vst.idx.msk $0xffff, v2;
	v2 =	vmul.f32 v58, v48  }
0x2bf: {  	v57 =	vadd.f32 v3, v0;
	v0 =	vmul.f32 v58, v1  }
0x2c0: {  	v46 =	vor.u32 $0x1, v28;
	[tilespmem:v50+s13+$0x0] =	vst.idx.msk $0xffff, v2;
	v1 =	vmul.f32 v58, v60  }
0x2c1: {  	v3 =	vmul.f32 v58, v61;
	[tilespmem:v55+s13+$0x0] =	vst.idx.msk $0xffff, v0  }
0x2c2: {  	[tilespmem:v53+s13+$0x0] =	vst.idx.msk $0xffff, v1  }
0x2c3: {  	v43 =	vor.u32 $0x2, v28;
	v39 =	vld.idx.msk [tilespmem:v28+s13+$0x0], $0xffff;
	[tilespmem:v52+s13+$0x0] =	vst.idx.msk $0xffff, v3  }
0x2c4: {  	v4 =	vld [tilespmem:$0x1FD00]  }
0x2c5: {  	v48 =	vor.u32 $0x3, v28;
	v47 =	vld.idx.msk [tilespmem:v46+s13+$0x0], $0xffff  }
0x2c6: {  	v49 =	vor.u32 $0x4, v28;
	_ =	sdelay $0x1  }
0x2c7: {  	v63 =	vmul.f32 v58, v63;
	v51 =	vld.idx.msk [tilespmem:v43+s13+$0x0], $0xffff;
	v2 =	vmax.f32 v57, $1.000000000e+00  }
0x2c8: {  	v50 =	vor.u32 $0x6, v28;
	v0 =	vmul.f32 v39, v39;
	v60 =	vmul.f32 $5.000000000e-01, v2  }
0x2c9: {  	v1 =	vmul.f32 v58, v62;
	v2 =	vshrl.u32 v2, $0x1;
	v53 =	vld.idx.msk [tilespmem:v48+s13+$0x0], $0xffff;
	v3 =	vmul.f32 v47, v47  }
0x2ca: {  	v21 =	vmovc v12;
	v61 =	vmul.f32 v58, v56;
	v56 =	vor.u32 $0x7, v28;
	v55 =	vld.idx.msk [tilespmem:v49+s13+$0x0], $0xffff;
	v2 =	vsub.s32 $0x5F3759DF, v2  }
0x2cb: {  	v52 =	vor.u32 $0x5, v28;
	v62 =	vmul.f32 v2, v60;
	v3 =	vadd.f32 v3, v0;
	[tilespmem:v4+s13+$0x0] =	vst.idx.msk $0xffff, v1  }
0x2cc: {  	s26 =	simm.s32 $0x30;
	v0 =	vmul.f32 v58, v10;
	v4 =	vmul.f32 v51, v51;
	[tilespmem:v54+s13+$0x0] =	vst.idx.msk $0xffff, v63;
	v54 =	vor.u32 $0x8, v28  }
.LBB2_20:
0x2cd: {  	v5 =	vld [tilespmem:$0x1FC50];
	_ =	sdelay $0x7  }
0x2ce: {  	v3 =	vadd.f32 v4, v3;
	v4 =	vld [tilespmem:$0x1FC60];
	[tilespmem:v5+s13+$0x0] =	vst.idx.msk $0xffff, v61;
	v5 =	vmov v26  }
0x2cf: {  	[tilespmem:$0x1FC50] =	vst v5;
	v5 =	vld [tilespmem:$0x1FC70];
	_ =	sdelay $0x3  }
0x2d0: {  	v1 =	vmul.f32 v2, v62  }
0x2d1: {  	v36 =	vmul.f32 v58, v36;
	v63 =	vmov v20;
	v20 =	vld.idx.msk [tilespmem:v52+s13+$0x0], $0xffff  }
0x2d2: {  	v62 =	vmov v22;
	v1 =	vsub.f32 $1.500000000e+00, v1;
	v22 =	vld.idx.msk [tilespmem:v50+s13+$0x0], $0xffff;
	[tilespmem:v15+s13+$0x0] =	vst.idx.msk $0xffff, v0;
	v0 =	vmul.f32 v58, v31  }
0x2d3: {  	[tilespmem:v4+s13+$0x0] =	vst.idx.msk $0xffff, v36;
	v4 =	vmul.f32 v58, v27  }
0x2d4: {  	[tilespmem:v5+s13+$0x0] =	vst.idx.msk $0xffff, v0;
	v5 =	vmul.f32 v58, v34;
	v58 =	vmul.f32 v2, v1;
	v1 =	vld [tilespmem:$0x1FC80];
	_ =	sdelay $0x3  }
0x2d5: {  	v26 =	vmul.f32 v53, v53  }
0x2d6: {  	v6 =	vmov v23  }
0x2d7: {  	v7 =	vmov v29;
	[tilespmem:$0x1FC40] =	vst v6;
	v27 =	vmul.f32 v55, v55;
	v6 =	vadd.f32 v26, v3  }
0x2d8: {  	v23 =	vor.u32 $0x9, v28;
	[tilespmem:$0x1FC60] =	vst v7;
	v61 =	vmov v30  }
0x2d9: {  	v30 =	vld.idx.msk [tilespmem:v56+s13+$0x0], $0xffff;
	[tilespmem:v1+s13+$0x0] =	vst.idx.msk $0xffff, v4;
	v4 =	vadd.f32 v27, v6;
	v6 =	vmul.f32 v58, v60  }
0x2da: {  	v34 =	vmov v45;
	v45 =	vld [tilespmem:$0x1FCB0];
	[tilespmem:v16+s13+$0x0] =	vst.idx.msk $0xffff, v5;
	v5 =	vmov v33  }
0x2db: {  	v26 =	vor.u32 $0xA, v28;
	v12 =	vmul.f32 v20, v20;
	v2 =	vmovc v25;
	v25 =	vld.idx.msk [tilespmem:v54+s13+$0x0], $0xffff;
	v7 =	vmul.f32 v6, v58  }
0x2dc: {  	v15 =	vmov v24;
	v24 =	vor.u32 $0xB, v28;
	v1 =	vmov v40;
	v6 =	vld [tilespmem:$0x1FCA0]  }
0x2dd: {  	v40 =	vmul.f32 v22, v22;
	[tilespmem:$0x1FC70] =	vst v5;
	v4 =	vadd.f32 v12, v4;
	v5 =	vmovc v38;
	v38 =	vsub.f32 $1.500000000e+00, v7;
	v7 =	vld [tilespmem:$0x1FC90]  }
0x2de: {  	v0 =	vmov v32;
	v32 =	vld.idx.msk [tilespmem:v23+s13+$0x0], $0xffff  }
0x2df: {  	v29 =	vor.u32 $0xC, v28;
	v10 =	vmovc v48;
	v48 =	vld [tilespmem:$0x1FCC0];
	v27 =	vmovc v44;
	v44 =	vmul.f32 v30, v30;
	v4 =	vadd.f32 v40, v4  }
0x2e0: {  	v8 =	vmovc v43;
	v9 =	vmovc v46;
	v31 =	vmov v42;
	v3 =	vmov v35;
	v35 =	vld.idx.msk [tilespmem:v26+s13+$0x0], $0xffff;
	v46 =	vmul.f32 v38, v58  }
0x2e1: {  	v36 =	vmovc v41;
	[tilespmem:$0x1FCB0] =	vst v10;
	v33 =	vor.u32 $0xD, v28;
	v4 =	vadd.f32 v44, v4;
	v44 =	vld [tilespmem:$0x1FFF0];
	v42 =	vmul.f32 v25, v25  }
0x2e2: {  	v43 =	vmov s26;
	v40 =	vld.idx.msk [tilespmem:v24+s13+$0x0], $0xffff;
	[tilespmem:$0x1FC80] =	vst v5;
	v5 =	vmovc v6;
	v6 =	vmovc v7;
	v7 =	vmov v45;
	v45 =	vmul.f32 v46, v60  }
0x2e3: {  	v11 =	vld [tilespmem:$0x1FCE0];
	v16 =	vmovc v37;
	v37 =	vor.u32 $0xF, v28;
	[tilespmem:$0x1FCA0] =	vst v8;
	v58 =	vmul.f32 v32, v32;
	v4 =	vadd.f32 v42, v4  }
0x2e4: {  	v41 =	vld.idx.msk [tilespmem:v29+s13+$0x0], $0xffff;
	v12 =	vshll.u32 v43, $0x4;
	v8 =	vmovc v48;
	[tilespmem:$0x1FC90] =	vst v9;
	v38 =	vor.u32 $0xE, v28;
	v45 =	vmul.f32 v45, v46  }
0x2e5: {  	v60 =	vmovc v21;
	v21 =	vmovc v51;
	v51 =	vmov v49;
	v4 =	vadd.f32 v58, v4;
	v58 =	vmul.f32 v35, v35  }
0x2e6: {  	v42 =	vld.idx.msk [tilespmem:v33+s13+$0x0], $0xffff;
	v49 =	vmovc v13;
	v13 =	vmovc v47;
	v47 =	vmov v50;
	v9 =	vor.u32 v44, v12;
	v48 =	vsub.f32 $1.500000000e+00, v45  }
0x2e7: {  	[tilespmem:$0x1FCE0] =	vst v47;
	v47 =	vmul.f32 v40, v40;
	v12 =	vld [tilespmem:$0x1FCD0];
	v43 =	vor.u32 $0x2, v9;
	v4 =	vadd.f32 v58, v4  }
0x2e8: {  	vm0 =	vgt.f32 v57, $1.000000000e+00;
	v57 =	vld [tilespmem:$0x1FCF0];
	v10 =	vmov v11;
	[tilespmem:$0x1FCC0] =	vst v51;
	v48 =	vmul.f32 v48, v46  }
0x2e9: {  	v44 =	vld.idx.msk [tilespmem:v38+s13+$0x0], $0xffff;
	v4 =	vadd.f32 v47, v4;
	v47 =	vmul.f32 v41, v41;
	v46 =	vor.u32 $0x1, v9;
	v58 =	vmovc v54  }
0x2ea: {  	v50 =	vmovc v59;
	v59 =	vmovc v53;
	v51 =	vmov v52;
	v52 =	vmov v17;
	v45 =	vld.idx.msk [tilespmem:v37+s13+$0x0], $0xffff;
	[tilespmem:$0x1FCF0] =	vst v58;
	v58 =	vnsel vm0, $0x3F800000, v48  }
0x2eb: {  	[tilespmem:$0x1FCD0] =	vst v51;
	v54 =	vmovc v19;
	v19 =	vmov v56;
	v4 =	vadd.f32 v47, v4;
	v53 =	vmul.f32 v58, v18  }
0x2ec: {  	v11 =	vmovc v12;
	v47 =	vmul.f32 v42, v42;
	v48 =	vor.u32 $0x3, v9;
	v51 =	vld.idx.msk [tilespmem:v43+s13+$0x0], $0xffff;
	v56 =	vmul.f32 v58, v49  }
0x2ed: {  	v18 =	vmov v39;
	v39 =	vld.idx.msk [tilespmem:v9+s13+$0x0], $0xffff;
	v49 =	vor.u32 $0x4, v9;
	v60 =	vmul.f32 v58, v60;
	[tilespmem:v14+s13+$0x0] =	vst.idx.msk $0xffff, v53  }
0x2ee: {  	v4 =	vadd.f32 v47, v4;
	v47 =	vld.idx.msk [tilespmem:v46+s13+$0x0], $0xffff;
	[tilespmem:v6+s13+$0x0] =	vst.idx.msk $0xffff, v56;
	v6 =	vmul.f32 v58, v50  }
0x2ef: {  	[tilespmem:v5+s13+$0x0] =	vst.idx.msk $0xffff, v60;
	v5 =	vmul.f32 v58, v52  }
0x2f0: {  	v17 =	vmov v55;
	v12 =	vmov v57;
	[tilespmem:v7+s13+$0x0] =	vst.idx.msk $0xffff, v6;
	v6 =	vmul.f32 v58, v63  }
0x2f1: {  	v55 =	vmul.f32 v44, v44;
	v53 =	vld.idx.msk [tilespmem:v48+s13+$0x0], $0xffff;
	[tilespmem:v8+s13+$0x0] =	vst.idx.msk $0xffff, v5;
	v5 =	vmul.f32 v58, v62  }
0x2f2: {  	[tilespmem:v11+s13+$0x0] =	vst.idx.msk $0xffff, v6;
	v6 =	vmul.f32 v58, v61  }
0x2f3: {  	v4 =	vadd.f32 v55, v4;
	v55 =	vld.idx.msk [tilespmem:v49+s13+$0x0], $0xffff;
	[tilespmem:v10+s13+$0x0] =	vst.idx.msk $0xffff, v5;
	v5 =	vmul.f32 v58, v2  }
0x2f4: {  	[tilespmem:v54+s13+$0x0] =	vst.idx.msk $0xffff, v6  }
0x2f5: {  	v57 =	vmul.f32 v45, v45;
	[tilespmem:v12+s13+$0x0] =	vst.idx.msk $0xffff, v5;
	v5 =	vld [tilespmem:$0x1FC40];
	_ =	sdelay $0x1  }
0x2f6: {  	v57 =	vadd.f32 v57, v4  }
0x2f7: {  	p0 =	sne.s32 s26, $0x7F0;
	v0 =	vmul.f32 v58, v0;
	v14 =	vmov v28;
	v28 =	vmov v9  }
.Ltmp13:
0x2f8: {  	v50 =	vor.u32 $0x6, v9;
	v52 =	vor.u32 $0x5, v28;
	v63 =	vmax.f32 v57, $1.000000000e+00;
	(pc) =	sbr.rel @p0 .LBB2_20-.Ltmp13, $4  }
0x2f9: {  	v7 =	vmul.f32 v39, v39;
	v56 =	vshrl.u32 v63, $0x1;
	v60 =	vmul.f32 $5.000000000e-01, v63  }
0x2fa: {  	v4 =	vmul.f32 v51, v51;
	v8 =	vmul.f32 v47, v47;
	v2 =	vsub.s32 $0x5F3759DF, v56  }
0x2fb: {  	v61 =	vmul.f32 v58, v3;
	v54 =	vor.u32 $0x8, v28;
	v62 =	vmul.f32 v2, v60  }
0x2fc: {  	s26 =	sadd.s32 $0x10, s26;
	v56 =	vor.u32 $0x7, v28;
	v3 =	vadd.f32 v8, v7;
	[tilespmem:v5+s13+$0x0] =	vst.idx.msk $0xffff, v0;
	v0 =	vmul.f32 v58, v1  }
0x2fd: {  	_ =	sdelay $0x3  }
0x2fe: {  	v5 =	vld.idx.msk [tilespmem:v52+s13+$0x0], $0xffff;
	_ =	sdelay $0x4  }
0x2ff: {  	[tilespmem:$0x1FBA0] =	vst v5  }
0x300: {  	v6 =	vld.idx.msk [tilespmem:v50+s13+$0x0], $0xffff;
	_ =	sdelay $0x2  }
0x301: {  	v1 =	vadd.f32 v4, v3;
	v4 =	vor.u32 $0x9, v28  }
0x302: {  	[tilespmem:$0x1FBE0] =	vst v4  }
0x303: {  	[tilespmem:$0x1FBB0] =	vst v6  }
0x304: {  	v8 =	vld.idx.msk [tilespmem:v56+s13+$0x0], $0xffff;
	_ =	sdelay $0x2  }
0x305: {  	v11 =	vmul.f32 v53, v53;
	v63 =	vor.u32 $0xA, v28  }
0x306: {  	[tilespmem:$0x1FBF0] =	vst v63  }
0x307: {  	v12 =	vmul.f32 v55, v55;
	v1 =	vadd.f32 v11, v1;
	[tilespmem:$0x1FBC0] =	vst v8  }
0x308: {  	v7 =	vld.idx.msk [tilespmem:v54+s13+$0x0], $0xffff  }
0x309: {  	v3 =	vadd.f32 v12, v1;
	v9 =	vmul.f32 v5, v5;
	_ =	sdelay $0x1  }
0x30a: {  	v5 =	vadd.f32 v9, v3;
	v3 =	vor.u32 $0xB, v28  }
0x30b: {  	v12 =	vmul.f32 v6, v6;
	[tilespmem:$0x1FC00] =	vst v3  }
0x30c: {  	[tilespmem:$0x1FBD0] =	vst v7  }
0x30d: {  	v5 =	vadd.f32 v12, v5;
	v11 =	vmul.f32 v8, v8;
	v10 =	vld.idx.msk [tilespmem:v4+s13+$0x0], $0xffff;
	v4 =	vor.u32 $0xC, v28  }
0x30e: {  	[tilespmem:$0x1FC10] =	vst v4  }
0x30f: {  	v1 =	vadd.f32 v11, v5;
	v5 =	vor.u32 $0xD, v28;
	v12 =	vld.idx.msk [tilespmem:v63+s13+$0x0], $0xffff  }
0x310: {  	[tilespmem:$0x1FC20] =	vst v5;
	v63 =	vmul.f32 v7, v7  }
0x311: {  	v6 =	vor.u32 $0xE, v28;
	v9 =	vld.idx.msk [tilespmem:v3+s13+$0x0], $0xffff  }
0x312: {  	[tilespmem:$0x1FC30] =	vst v6;
	v7 =	vadd.f32 v63, v1;
	v63 =	vmul.f32 v10, v10  }
0x313: {  	v8 =	vld.idx.msk [tilespmem:v4+s13+$0x0], $0xffff  }
0x314: {  	v3 =	vadd.f32 v63, v7;
	v63 =	vmul.f32 v12, v12  }
0x315: {  	v7 =	vld.idx.msk [tilespmem:v5+s13+$0x0], $0xffff  }
0x316: {  	v1 =	vadd.f32 v63, v3;
	v3 =	vmul.f32 v2, v62;
	v62 =	vmul.f32 v9, v9;
	_ =	sdelay $0x1  }
0x317: {  	v1 =	vadd.f32 v62, v1;
	v62 =	vmul.f32 v8, v8;
	_ =	sdelay $0x1  }
0x318: {  	v63 =	vmul.f32 v7, v7;
	v1 =	vadd.f32 v62, v1;
	_ =	sdelay $0x1  }
0x319: {  	v1 =	vadd.f32 v63, v1;
	v63 =	vld [tilespmem:$0x1FC50];
	_ =	sdelay $0x7  }
0x31a: {  	[tilespmem:v63+s13+$0x0] =	vst.idx.msk $0xffff, v61  }
0x31b: {  	[tilespmem:v15+s13+$0x0] =	vst.idx.msk $0xffff, v0  }
0x31c: {  	v15 =	vld [tilespmem:$0x1FC60];
	_ =	sdelay $0x1  }
0x31d: {  	v3 =	vsub.f32 $1.500000000e+00, v3;
	_ =	sdelay $0x1  }
0x31e: {  	v2 =	vmul.f32 v2, v3;
	_ =	sdelay $0x1  }
0x31f: {  	v36 =	vmul.f32 v58, v36;
	v3 =	vmul.f32 v2, v60;
	_ =	sdelay $0x1  }
0x320: {  	v3 =	vmul.f32 v3, v2;
	[tilespmem:v15+s13+$0x0] =	vst.idx.msk $0xffff, v36  }
0x321: {  	v15 =	vld [tilespmem:$0x1FC70]  }
0x322: {  	v3 =	vsub.f32 $1.500000000e+00, v3;
	_ =	sdelay $0x1  }
0x323: {  	v2 =	vmul.f32 v3, v2;
	_ =	sdelay $0x1  }
0x324: {  	v60 =	vmul.f32 v2, v60  }
0x325: {  	v31 =	vmul.f32 v58, v31  }
0x326: {  	v60 =	vmul.f32 v60, v2  }
0x327: {  	[tilespmem:v15+s13+$0x0] =	vst.idx.msk $0xffff, v31  }
0x328: {  	v60 =	vsub.f32 $1.500000000e+00, v60;
	v15 =	vld [tilespmem:$0x1FC80];
	_ =	sdelay $0x1  }
0x329: {  	v2 =	vmul.f32 v60, v2  }
0x32a: {  	vm0 =	vgt.f32 v57, $1.000000000e+00  }
0x32b: {  	v27 =	vmul.f32 v58, v27;
	v2 =	vnsel vm0, $0x3F800000, v2  }
0x32c: {  	v36 =	vmul.f32 v58, v34;
	v58 =	vmul.f32 v2, v18;
	_ =	sdelay $0x1  }
0x32d: {  	[tilespmem:v14+s13+$0x0] =	vst.idx.msk $0xffff, v58  }
0x32e: {  	[tilespmem:v15+s13+$0x0] =	vst.idx.msk $0xffff, v27  }
0x32f: {  	[tilespmem:v16+s13+$0x0] =	vst.idx.msk $0xffff, v36  }
0x330: {  	v16 =	vld [tilespmem:$0x1FC90]  }
0x331: {  	v11 =	vor.u32 $0xF, v28;
	_ =	sdelay $0x2  }
0x332: {  	v6 =	vld.idx.msk [tilespmem:v6+s13+$0x0], $0xffff;
	_ =	sdelay $0x1  }
0x333: {  	v5 =	vld.idx.msk [tilespmem:v11+s13+$0x0], $0xffff;
	v60 =	vmul.f32 v2, v13;
	_ =	sdelay $0x1  }
0x334: {  	[tilespmem:v16+s13+$0x0] =	vst.idx.msk $0xffff, v60  }
0x335: {  	v62 =	vmul.f32 v6, v6;
	v15 =	vld [tilespmem:$0x1FCA0];
	_ =	sdelay $0x1  }
0x336: {  	v1 =	vadd.f32 v62, v1;
	v62 =	vmul.f32 v5, v5;
	_ =	sdelay $0x1  }
0x337: {  	v4 =	vadd.f32 v62, v1;
	_ =	sdelay $0x1  }
0x338: {  	v3 =	vmax.f32 v4, $1.000000000e+00;
	v61 =	vmul.f32 v2, v21  }
0x339: {  	v62 =	vshrl.u32 v3, $0x1;
	v3 =	vmul.f32 $5.000000000e-01, v3  }
0x33a: {  	v62 =	vsub.s32 $0x5F3759DF, v62;
	[tilespmem:v15+s13+$0x0] =	vst.idx.msk $0xffff, v61  }
0x33b: {  	v1 =	vmul.f32 v62, v3;
	v15 =	vld [tilespmem:$0x1FCB0];
	_ =	sdelay $0x1  }
0x33c: {  	v1 =	vmul.f32 v62, v1;
	_ =	sdelay $0x1  }
0x33d: {  	v1 =	vsub.f32 $1.500000000e+00, v1;
	_ =	sdelay $0x1  }
0x33e: {  	v0 =	vmul.f32 v62, v1;
	v62 =	vmul.f32 v2, v59;
	_ =	sdelay $0x1  }
0x33f: {  	[tilespmem:v15+s13+$0x0] =	vst.idx.msk $0xffff, v62  }
0x340: {  	v15 =	vld [tilespmem:$0x1FCC0];
	_ =	sdelay $0x5  }
0x341: {  	v18 =	vmul.f32 v2, v17;
	_ =	sdelay $0x1  }
0x342: {  	[tilespmem:v15+s13+$0x0] =	vst.idx.msk $0xffff, v18  }
0x343: {  	v27 =	vld [tilespmem:$0x1FCD0];
	_ =	sdelay $0x3  }
0x344: {  	v57 =	vmul.f32 v0, v3;
	_ =	sdelay $0x1  }
0x345: {  	v21 =	vmul.f32 v2, v20;
	v31 =	vmul.f32 v57, v0;
	_ =	sdelay $0x1  }
0x346: {  	v63 =	vsub.f32 $1.500000000e+00, v31;
	[tilespmem:v27+s13+$0x0] =	vst.idx.msk $0xffff, v21  }
0x347: {  	v13 =	vld [tilespmem:$0x1FCE0]  }
0x348: {  	v0 =	vmul.f32 v63, v0;
	_ =	sdelay $0x1  }
0x349: {  	v3 =	vmul.f32 v0, v3;
	_ =	sdelay $0x1  }
0x34a: {  	v3 =	vmul.f32 v3, v0  }
0x34b: {  	v22 =	vmul.f32 v2, v22  }
0x34c: {  	v30 =	vmul.f32 v2, v30;
	v3 =	vsub.f32 $1.500000000e+00, v3  }
0x34d: {  	[tilespmem:v13+s13+$0x0] =	vst.idx.msk $0xffff, v22  }
0x34e: {  	v0 =	vmul.f32 v3, v0;
	[tilespmem:v19+s13+$0x0] =	vst.idx.msk $0xffff, v30  }
0x34f: {  	vm15 =	vgt.f32 v4, $1.000000000e+00;
	v36 =	vmul.f32 v2, v40;
	v40 =	vmul.f32 v2, v41;
	v13 =	vld [tilespmem:$0x1FCF0]  }
0x350: {  	v41 =	vmul.f32 v2, v42;
	v42 =	vmul.f32 v2, v44;
	v0 =	vnsel vm15, $0x3F800000, v0  }
0x351: {  	v44 =	vmul.f32 v2, v45;
	v45 =	vmul.f32 v0, v39  }
0x352: {  	v47 =	vmul.f32 v0, v47  }
0x353: {  	v51 =	vmul.f32 v0, v51;
	[tilespmem:v28+s13+$0x0] =	vst.idx.msk $0xffff, v45  }
0x354: {  	v53 =	vmul.f32 v0, v53;
	[tilespmem:v46+s13+$0x0] =	vst.idx.msk $0xffff, v47  }
0x355: {  	v31 =	vmul.f32 v2, v25;
	[tilespmem:v43+s13+$0x0] =	vst.idx.msk $0xffff, v51  }
0x356: {  	v34 =	vmul.f32 v2, v32;
	[tilespmem:v48+s13+$0x0] =	vst.idx.msk $0xffff, v53  }
0x357: {  	v35 =	vmul.f32 v2, v35;
	[tilespmem:v13+s13+$0x0] =	vst.idx.msk $0xffff, v31  }
0x358: {  	[tilespmem:v23+s13+$0x0] =	vst.idx.msk $0xffff, v34  }
0x359: {  	[tilespmem:v26+s13+$0x0] =	vst.idx.msk $0xffff, v35  }
0x35a: {  	[tilespmem:v24+s13+$0x0] =	vst.idx.msk $0xffff, v36  }
0x35b: {  	[tilespmem:v29+s13+$0x0] =	vst.idx.msk $0xffff, v40  }
0x35c: {  	[tilespmem:v33+s13+$0x0] =	vst.idx.msk $0xffff, v41  }
0x35d: {  	v57 =	vmul.f32 v0, v55;
	[tilespmem:v38+s13+$0x0] =	vst.idx.msk $0xffff, v42  }
0x35e: {  	[tilespmem:v37+s13+$0x0] =	vst.idx.msk $0xffff, v44  }
0x35f: {  	v1 =	vld [tilespmem:$0x1FBA0];
	[tilespmem:v49+s13+$0x0] =	vst.idx.msk $0xffff, v57  }
0x360: {  	v2 =	vld [tilespmem:$0x1FBB0];
	_ =	sdelay $0x3  }
0x361: {  	v1 =	vmul.f32 v0, v1  }
0x362: {  	v2 =	vmul.f32 v0, v2  }
0x363: {  	[tilespmem:v52+s13+$0x0] =	vst.idx.msk $0xffff, v1  }
0x364: {  	v1 =	vld [tilespmem:$0x1FBC0];
	[tilespmem:v50+s13+$0x0] =	vst.idx.msk $0xffff, v2  }
0x365: {  	v2 =	vld [tilespmem:$0x1FBD0];
	_ =	sdelay $0x3  }
0x366: {  	v1 =	vmul.f32 v0, v1  }
0x367: {  	v2 =	vmul.f32 v0, v2  }
0x368: {  	[tilespmem:v56+s13+$0x0] =	vst.idx.msk $0xffff, v1  }
0x369: {  	[tilespmem:v54+s13+$0x0] =	vst.idx.msk $0xffff, v2  }
0x36a: {  	v3 =	vld [tilespmem:$0x1FBE0];
	_ =	sdelay $0x5  }
0x36b: {  	v58 =	vmul.f32 v0, v10;
	_ =	sdelay $0x1  }
0x36c: {  	[tilespmem:v3+s13+$0x0] =	vst.idx.msk $0xffff, v58  }
0x36d: {  	v3 =	vld [tilespmem:$0x1FBF0];
	_ =	sdelay $0x5  }
0x36e: {  	v59 =	vmul.f32 v0, v12;
	_ =	sdelay $0x1  }
0x36f: {  	[tilespmem:v3+s13+$0x0] =	vst.idx.msk $0xffff, v59  }
0x370: {  	v3 =	vld [tilespmem:$0x1FC00];
	_ =	sdelay $0x5  }
0x371: {  	v60 =	vmul.f32 v0, v9;
	_ =	sdelay $0x1  }
0x372: {  	[tilespmem:v3+s13+$0x0] =	vst.idx.msk $0xffff, v60  }
0x373: {  	v3 =	vld [tilespmem:$0x1FC10];
	_ =	sdelay $0x5  }
0x374: {  	v61 =	vmul.f32 v0, v8;
	_ =	sdelay $0x1  }
0x375: {  	[tilespmem:v3+s13+$0x0] =	vst.idx.msk $0xffff, v61  }
0x376: {  	v3 =	vld [tilespmem:$0x1FC20];
	_ =	sdelay $0x5  }
0x377: {  	v62 =	vmul.f32 v0, v7;
	_ =	sdelay $0x1  }
0x378: {  	[tilespmem:v3+s13+$0x0] =	vst.idx.msk $0xffff, v62  }
0x379: {  	v1 =	vld [tilespmem:$0x1FC30];
	_ =	sdelay $0x3  }
0x37a: {  	s24 =	sadd.s32 $0x1, s24  }
0x37b: {  	p0 =	sne.s32 s24, $0x12  }
.Ltmp14:
0x37c: {  	v63 =	vmul.f32 v0, v6;
	(pc) =	sbr.rel @p0 .LBB2_2-.Ltmp14, $4  }
.Ltmp15:
0x37d: {  	s25 =	sadd.s32 s4, s25;
	v0 =	vmul.f32 v0, v5;
	(pc) =	sbr.rel @!p0 .LBB2_22-.Ltmp15, $4  }
0x37e: {  	s25 =	sshll.u32 s25, $0x1;
	[tilespmem:v1+s13+$0x0] =	vst.idx.msk $0xffff, v63  }
0x37f: {  	s25 =	sadd.s32 s2, s25;
	[tilespmem:v11+s13+$0x0] =	vst.idx.msk $0xffff, v0  }
0x380: {  	[hbm4b:s25+s3] =	stream.linear.scatter [tilespmem:s13], [sflag:$0x4], $0x8000, $0x38;
	v7 =	vld [tilespmem:$0x1FFF0]  }
0x381: {  	_ = 	snop  }
.LBB2_23:
0x382: {  	_ =	sfence.sel $0x180000  }
0x383: {  	[bflag:$0x0] =	sbarrier.arrive $0xFFFF  }
0x384: {  	p0 =	sne.s32 s1, $0x0;
	_ =	strace $0x90000047  }
0x385: {  	s0 =	sadd.s32 @!p0 $0x100000, s0;
	[bflag:$0x2] =	sbarrier.arrive $0xFFFF  }
0x386: {  	[sflag:s0] =	ssyncadd.tile.s32 @!p0 $0x1;
	_ =	shalt  }
.Lfunc_end2:
_tile_overlayer_lowered:
.L_overlay_start_2:
0x387: {  	(tag) =	ssettag $0x2  }
0x388: {  	s0 =	rddreg [dreg:$0x0];
	s2 =	stileid.u32  }
0x389: {  	s1 =	rddreg [dreg:$0x1];
	p0 =	sne.s32 s2, $0x0  }
0x38a: {  	s3 =	rddreg [dreg:$0x2];
	[bflag:$0x3] =	sbarrier.arrive $0xFFFF;
	s2 =	simm.s32 @!p0 $0x1C07  }
0x38b: {  	[timem:s3], [sflag:s2] =	dma.local @!p0 [hbm:s0], s1  }
0x38c: {  	s0 =	simm.s32 @!p0 $0x7  }
0x38d: {  	_ =	swait.ge @!p0 [sflag:s0], s1  }
0x38e: {  	s1 =	ssub.s32 @!p0 $0x0, s1;
	[sflag:s0] =	ssyncset.done @!p0 $0x0  }
0x38f: {  	[sflag:s0] =	ssyncadd.s32 @!p0 s1  }
0x390: {  	[bflag:$0x3] =	sbarrier.arrive $0xFFFF  }
0x391: {  	_ =	shalt  }

// kernel: sparse-core-data-format-call.cloned.1.call-start
scs
called_computation_lowered:
.L_overlay_start_0:
0x0: {  	s2 =	sld [smem:$0x3FD9]  }
0x1: {  	s3 =	sld [smem:$0x3FFE];
	_ =	sdelay $0x1  }
0x2: {  	s1 =	srdreg.scid  }
0x3: {  	s0 =	sand.u32 $0x1, s1  }
0x4: {  	s18 =	sshll.u32 s0, $0xA;
	s2 =	sadd.s32 s3, s2  }
0x5: {  	s2 =	sadd.s32 s2, s18  }
0x6: {  	[smem:$0x3FC6] =	sst s2  }
0x7: {  	_ = 	snop  }
0x8: {  	s2 =	sld [smem:$0x3FD0];
	(tm) =	ssettm $0x1  }
0x9: {  	s19 =	sld [smem:$0x3FFB];
	_ =	sdelay $0x3  }
0xa: {  	_ =	strace s19  }
0xb: {  	s3 =	sld [smem:$0x3FFC];
	_ =	sdelay $0x3  }
0xc: {  	_ =	strace s3  }
0xd: {  	s3 =	sld [smem:$0x3FFD];
	_ =	sdelay $0x3  }
0xe: {  	_ =	strace s3  }
0xf: {  	_ =	strace $0x8FFFFFFF  }
0x10: {  	s20 =	sld [smem:$0x3FDB];
	_ =	sdelay $0x1  }
0x11: {  	s4 =	simm.s32 $_scs_section_size  }
0x12: {  	s5 =	simm.s32 $_size__tile_overlayer_lowered;
	s6 =	simm.s32 $_tile_overlayer_lowered  }
0x13: {  	s23 =	simm.s32 $0x1BFF;
	s22 =	sshll.u32 s6, $0x1;
	s3 =	sadd.s32 s4, s20  }
0x14: {  	s7 =	simm.s32 $0x0;
	s21 =	sshll.u32 s5, $0x1;
	s5 =	sadd.s32 s22, s3  }
0x15: {  	[timem:s7], [sflag:s23] =	dma.local [hbm:s5], s21  }
0x16: {  	_ =	swait.ge [sflag:s23], s21  }
0x17: {  	s4 =	ssub.s32 $0x0, s21;
	[sflag:s23] =	ssyncset.done $0x0  }
0x18: {  	[sflag:s23] =	ssyncadd.s32 s4;
	_ =	sdelay $0x1  }
0x19: {  	s24 =	simm.s32 $0x1B8B  }
0x1a: {  	_ =	swait.ge [sflag:s24], $0x1  }
0x1b: {  	[sflag:s24] =	ssyncset.done $0x0  }
0x1c: {  	s26 =	simm.s32 $0x1B8E;
	s25 =	sld [smem:$0x3FFE];
	[sflag:s24] =	ssyncadd.s32 $0xFFFFFFFF  }
0x1d: {  	s27 =	simm.s32 $execute0_lowered;
	[smem:$0x3FD2] =	sst s26  }
0x1e: {  	s5 =	sshll.u32 s27, $0x1;
	_ =	strace $0x80000049;
	[dreg:$0x1] =	wrdreg $0xFFFFFFFF  }
0x1f: {  	s28 =	simm.s32 $_size_execute0_lowered;
	s3 =	sadd.s32 s3, s5;
	[dreg:$0x0] =	wrdreg $0x0  }
0x20: {  	s5 =	sshll.u32 s28, $0x1;
	[dreg:$0x2] =	wrdreg s3  }
0x21: {  	[dreg:$0x3] =	wrdreg s5  }
0x22: {  	[dreg:$0x4] =	wrdreg $0xC0  }
0x23: {  	_ =	task [dreg:s7], $0x5FFFF  }
0x24: {  	[dreg:$0x1] =	wrdreg $0xFFFFFFFF  }
0x25: {  	[dreg:$0x0] =	wrdreg $0x60  }
0x26: {  	[dreg:$0x2] =	wrdreg s25  }
0x27: {  	[dreg:$0x3] =	wrdreg s2  }
0x28: {  	[dreg:$0x4] =	wrdreg $0x9  }
0x29: {  	_ =	task.clear_ibuf [dreg:s7], $0x5FFFF;
	_ =	strace $0x90000049  }
0x2a: {  	s29 =	simm.s32 $0x9;
	_ =	strace $0x8000004B  }
0x2b: {  	_ =	swait.ge [sflag:s29], $0x1  }
0x2c: {  	[sflag:s29] =	ssyncadd.s32 $0xFFFFFFFF  }
0x2d: {  	_ =	strace $0x9000004B  }
0x2e: {  	_ =	sfence  }
0x2f: {  	s30 =	sld [smem:$0x0];
	_ =	sdelay $0x2  }
0x30: {  	s31 =	sshll.u32 s1, $0xD;
	s1 =	sshrl.u32 s1, $0x2  }
0x31: {  	s3 =	sand.u32 $0x4000, s31;
	s1 =	sadd.s32 s1, s30  }
0x32: {  	s0 =	sor.u32 s3, s0;
	s1 =	sshll.u32 s1, $0x11  }
0x33: {  	s0 =	sor.u32 s1, s0  }
0x34: {  	s0 =	sadd.s32 $0x8F2B, s0  }
0x35: {  	[sflag:s0] =	ssyncadd.remote.s32 $0x1  }
0x36: {  	_ =	sfence.sel $0xFFFF  }
0x37: {  	[dreg:$0x0] =	wrdreg $0xFFFFFFFF;
	(pc) =	sbr.abs _section_cstart, $3  }
0x38: {  	[dreg:$0x1] =	wrdreg $0xFFFFFFFF  }
0x39: {  	_ =	task.clear_ibuf [dreg:s7], $0x2FFFF;
	_ =	strace $0x9FFFFFFF  }
0x3a: {  	(tm) =	ssettm $0x7FFFFFFF  }
0x3b: {  	_ =	shalt  }
tec
execute0_lowered:
.L_overlay_start_1:
0x0: {  	(tag) =	ssettag $0x1  }
0x1: {  	s0 =	srdreg.scid  }
0x2: {  	s1 =	sshll.u32 s0, $0x4  }
0x3: {  	s0 =	stileid.u32;
	s1 =	sand.u32 $0x10, s1  }
0x4: {  	s1 =	sor.u32 s0, s1  }
0x5: {  	s6 =	rddreg [dreg:$0x0];
	s4 =	simm.s32 $0x1;
	s2 =	sshll.u32 s1, $0x7  }
0x6: {  	s7 =	simm.s32 $0x2;
	s12 =	simm.s32 $0x0;
	s1 =	ssub.s32 $0x4000, s2  }
0x7: {  	s8 =	simm.s32 $0x20000;
	s13 =	simm.s32 $0x0;
	s3 =	sand.u32 $0xF80, s1  }
0x8: {  	s9 =	simm.s32 $0x0;
	s5 =	sshrl.u32 s1, $0xC;
	p0 =	sne.s32 s3, $0x0  }
.Ltmp0:
0x9: {  	s1 =	rddreg [dreg:$0x2];
	s4 =	simm.s32 @!p0 $0x0;
	(pc) =	sbr.rel .LBB1_1-.Ltmp0, $4  }
0xa: {  	s11 =	simm.s32 $0x0;
	s3 =	rddreg [dreg:$0x1];
	s5 =	sadd.s32 s4, s5  }
0xb: {  	_ =	strace $0x8000004A;
	s4 =	simm.s32 $0x1;
	s5 =	smul.u32 $0xC8, s5  }
0xc: {  	s6 =	sadd.s32 $0x800, s6;
	s10 =	smov.u32 s2;
	[sflag:s4] =	ssyncpa.u1 $0x0  }
0xd: {  	p0 =	por $0x0, $0x0;
	[sflag:s7] =	ssyncpa.u1 $0x0;
	s7 =	sor.u32 $0x1, s5  }
.LBB1_4:
0xe: {  	s16 =	sshll.u32 s13, $0x3;
	s17 =	sand.u32 $0x78, s13  }
0xf: {  	s30 =	sand.u32 $0x7800, s13;
	s12 =	sshll.u32 s12, $0xF;
	s16 =	sand.u32 $0x3C00, s16  }
0x10: {  	s31 =	sand.u32 $0x7, s13;
	s16 =	sor.u32 s17, s16;
	s17 =	sadd.s32 s3, s30  }
0x11: {  	s13 =	sshll.u32 s31, $0x12;
	s16 =	sshrl.u32 s16, $0x3;
	s12 =	sadd.s32 s12, s17  }
0x12: {  	[tilespmem:s15+$0x0 ss:$0x81] =	vst.msk $0xffff, v1;
	s13 =	sor.u32 $0x400, s13;
	s12 =	sadd.s32 s16, s12  }
0x13: {  	[hbm4b:s12+s13] =	stream.strided.scatter [tilespmem:s14], [sflag:$0x2], $0x800, s8, s13, $0x20;
	[tilespmem:$0x2020] =	vst v63  }
.LBB1_5:
0x14: {  	s14 =	sadd.s32 $0x1, s9  }
0x15: {  	s12 =	sadd.s32 $0x1000, s10;
	s16 =	smov.u32 s10;
	p2 =	sgt.s32 s14, $0xC7  }
0x16: {  	s16 =	smov.u32 @p2 s12  }
0x17: {  	s14 =	simm.s32 @p2 $0x0;
	p2 =	sgt.s32 s16, $0x3FFF  }
0x18: {  	s16 =	smov.u32 @p2 s2;
	p2 =	sne.s32 s11, s7  }
.Ltmp1:
0x19: {  	p1 =	slt.u32 s11, $0x2;
	(pc) =	sbr.rel @!p2 .LBB1_6-.Ltmp1, $4  }
0x1a: {  	s15 =	simm.s32 @!p1 $0x2  }
0x1b: {  	s13 =	smov.u32 s10;
	p0 =	por !p0, !p0;
	_ =	swait.ge @!p1 [sflag:s15], $0x800  }
0x1c: {  	s12 =	smov.u32 s9;
	[sflag:s15] =	ssyncset.done @!p1 $0x0;
	s9 =	smov.u32 s14  }
0x1d: {  	s11 =	sadd.s32 $0x1, s11;
	[sflag:s15] =	ssyncadd.s32 @!p1 $0xFFFFF800;
	s10 =	smov.u32 s16  }
.LBB1_1:
0x1e: {  	p1 =	sge.u32 s11, s5  }
0x1f: {  	s14 =	sand.u32 @!p1 $0x1FFFFFF, s9  }
0x20: {  	s15 =	smulhi.u32 @!p1 $0x147AE15, s14;
	_ =	sdelay $0x1  }
0x21: {  	s15 =	smul.u32 @!p1 $0xC8, s15  }
0x22: {  	s16 =	sxor.u32 @!p1 $0xFFFFFFFF, s11;
	s17 =	smul.u32 @!p1 $0xC80, s10  }
0x23: {  	s31 =	sadd.s32 $0xFFFFFFFF, s11;
	s16 =	sshll.u32 @!p1 s16, $0xB;
	s14 =	ssub.s32 @!p1 s14, s15  }
0x24: {  	s15 =	sand.u32 @!p1 $0x800, s16;
	s16 =	sadd.s32 @!p1 s6, s17;
	s14 =	sshll.u32 @!p1 s14, $0x4  }
0x25: {  	s17 =	simm.s32 @!p1 $0x6400;
	s14 =	sadd.s32 @!p1 s14, s16;
	s16 =	simm.s32 @!p1 $0x10  }
0x26: {  	[tilespmem:s15], [sflag:$0x1] =	stream.strided.gather @!p1 [hbm4b:s14+s16], $0x800, s17, s16, $0x38;
	[tilespmem:$0x2020] =	vst v63  }
0x27: {  	p1 =	sge.u32 s31, s5  }
.Ltmp2:
0x28: {  	_ = 	snop;
	(pc) =	sbr.rel @p1 .LBB1_5-.Ltmp2, $1  }
0x29: {  	_ =	sdelay $0x3  }
0x2a: {  	s14 =	simm.s32 $0x1  }
0x2b: {  	s14 =	simm.s32 @!p0 $0x0  }
0x2c: {  	s15 =	sshll.u32 s14, $0xB  }
0x2d: {  	v0 =	vmov s15;
	_ =	sdelay $0x1  }
0x2e: {  	_ =	swait.ge [sflag:s4], $0x800  }
0x2f: {  	s31 =	sand.u32 $0x1, s11;
	[sflag:s4] =	ssyncset.done $0x0  }
0x30: {  	s17 =	simm.s32 $0x0;
	s14 =	smul.u32 $0x2040, s14;
	[sflag:s4] =	ssyncadd.s32 $0xFFFFF800  }
0x31: {  	s15 =	smul.u32 $0x2040, s31;
	v1 =	vld.idx.msk [tilespmem:v0+s17+$0x0 ss:$0x1], $0xffff;
	_ =	sdelay $0x1  }
0x32: {  	s14 =	sshrl.u32 s14, $0x2;
	s16 =	sshrl.u32 s15, $0x2  }
0x33: {  	s15 =	sor.u32 $0x1000, s14;
	s14 =	sor.u32 $0x1000, s16;
	s16 =	simm.s32 $0x40  }
.LBB1_3:
0x34: {  	s17 =	sshra.s32 s16, $0x2;
	p1 =	sne.s32 s16, $0x1FC0;
	s16 =	sadd.s32 $0x40, s16  }
.Ltmp3:
0x35: {  	[tilespmem:s15+$0x0 ss:$0x81] =	vst.msk $0xffff, v1;
	v1 =	vld.idx.msk [tilespmem:v0+s17+$0x0 ss:$0x1], $0xffff;
	(pc) =	sbr.rel @p1 .LBB1_3-.Ltmp3, $2  }
0x36: {  	_ =	sdelay $0x2  }
0x37: {  	s15 =	sadd.s32 $0x1, s15  }
.Ltmp4:
0x38: {  	_ = 	snop;
	(pc) =	sbr.rel .LBB1_4-.Ltmp4, $1  }
0x39: {  	_ =	sdelay $0x3  }
.LBB1_6:
0x3a: {  	_ =	sfence.sel $0x180000  }
0x3b: {  	s2 =	simm.s32 $0x1;
	[bflag:$0x0] =	sbarrier.arrive $0xFFFF  }
0x3c: {  	s31 =	simm.s32 $0x2;
	[sflag:s2] =	ssyncpa.u1 $0x1  }
0x3d: {  	[sflag:s31] =	ssyncpa.u1 $0x1  }
0x3e: {  	p0 =	sne.s32 s0, $0x0;
	_ =	strace $0x9000004A  }
0x3f: {  	s0 =	sadd.s32 @!p0 $0x100000, s1;
	[bflag:$0x2] =	sbarrier.arrive $0xFFFF  }
0x40: {  	[sflag:s0] =	ssyncadd.tile.s32 @!p0 $0x1;
	_ =	shalt  }
.Lfunc_end1:
_tile_overlayer_lowered:
.L_overlay_start_2:
0x41: {  	(tag) =	ssettag $0x2  }
0x42: {  	s0 =	rddreg [dreg:$0x0];
	s2 =	stileid.u32  }
0x43: {  	s1 =	rddreg [dreg:$0x1];
	p0 =	sne.s32 s2, $0x0  }
0x44: {  	s3 =	rddreg [dreg:$0x2];
	[bflag:$0x3] =	sbarrier.arrive $0xFFFF;
	s2 =	simm.s32 @!p0 $0x1C01  }
0x45: {  	[timem:s3], [sflag:s2] =	dma.local @!p0 [hbm:s0], s1  }
0x46: {  	s0 =	simm.s32 @!p0 $0x1  }
0x47: {  	_ =	swait.ge @!p0 [sflag:s0], s1  }
0x48: {  	s1 =	ssub.s32 @!p0 $0x0, s1;
	[sflag:s0] =	ssyncset.done @!p0 $0x0  }
0x49: {  	[sflag:s0] =	ssyncadd.s32 @!p0 s1  }
0x4a: {  	[bflag:$0x3] =	sbarrier.arrive $0xFFFF  }
0x4b: {  	_ =	shalt  }

</sc_bundles>
